<compile_context>
chip_gen: v7x
topology: tpu7x:2x2x1
jax: 0.10.2.dev20260603
libtpu: 0.0.44.dev20260713+nightly
codegen_flags: <defaults>
</compile_context>

<pallas_src>
import functools

import jax
import jax.numpy as jnp
from jax import lax
from jax.experimental import pallas as pl
from jax.experimental.pallas import tpu as pltpu
from jax.experimental.pallas import tpu_sc as plsc

_K = 8192
_D = 256
_N = 9216
_TB = 2304
_KB = 2048
_NT = _N // _TB
_NK = _K // _KB
_CC = 0.25

_NW = 32
_BPW = _N // _NW
_CH = 96
_NCH = _BPW // _CH


def _dist_body(x_ref, w_ref, idx_ref, minv_ref, psum_ref, w2_ref, ws_ref):
    i = pl.program_id(0)
    xt = jnp.swapaxes(x_ref[...], 0, 1)
    x2 = jnp.sum(xt * xt, axis=0, keepdims=True)

    @pl.when(i == 0)
    def _():
        for k in range(_NK):
            w = w_ref[pl.ds(k * _KB, _KB), :]
            w2_ref[pl.ds(k * _KB, _KB), :] = jnp.sum(w * w, axis=1,
                                                     keepdims=True)
            ws_ref[pl.ds(k * _KB, _KB), :] = w * -2.0
        psum_ref[0, 0] = 0.0

    iota = lax.broadcasted_iota(jnp.int32, (_KB, _TB), 0).astype(jnp.float32)
    best = None
    bidx = None
    for k in range(_NK):
        ws = ws_ref[pl.ds(k * _KB, _KB), :]
        mm2 = lax.dot_general(ws, xt, (((1,), (0,)), ((), ())),
                              preferred_element_type=jnp.float32)
        w2 = w2_ref[pl.ds(k * _KB, _KB), :]
        d = (x2 + w2) + mm2
        m = jnp.min(d, axis=0, keepdims=True)
        li = jnp.min(jnp.where(d == m, iota, float(_K)), axis=0,
                     keepdims=True)
        gi = li + float(k * _KB)
        if k == 0:
            best, bidx = m, gi
        else:
            upd = m < best
            best = jnp.where(upd, m, best)
            bidx = jnp.where(upd, gi, bidx)
    idx_ref[0] = bidx.astype(jnp.int32)
    minv_ref[0] = best
    psum_ref[0, 0] += jnp.sum(best)


def _make_dist_call(ntok):
    nt = ntok // _TB
    return pl.pallas_call(
        _dist_body,
        grid=(nt,),
        in_specs=[
            pl.BlockSpec((_TB, _D), lambda i: (i, 0)),
            pl.BlockSpec((_K, _D), lambda i: (0, 0)),
        ],
        out_specs=[
            pl.BlockSpec((1, 1, _TB), lambda i: (i, 0, 0)),
            pl.BlockSpec((1, 1, _TB), lambda i: (i, 0, 0)),
            pl.BlockSpec((1, 1), lambda i: (0, 0), memory_space=pltpu.SMEM),
        ],
        out_shape=[
            jax.ShapeDtypeStruct((nt, 1, _TB), jnp.int32),
            jax.ShapeDtypeStruct((nt, 1, _TB), jnp.float32),
            jax.ShapeDtypeStruct((1, 1), jnp.float32),
        ],
        scratch_shapes=[
            pltpu.VMEM((_K, 1), jnp.float32),
            pltpu.VMEM((_K, _D), jnp.float32),
        ],
        compiler_params=pltpu.CompilerParams(
            dimension_semantics=("arbitrary",),
        ),
    )


@functools.cache
def _make_gather(ntok):
    bpw = ntok // _NW
    nch = bpw // _CH

    @functools.partial(
        pl.kernel,
        mesh=plsc.VectorSubcoreMesh(core_axis_name="c", subcore_axis_name="s"),
        out_type=jax.ShapeDtypeStruct((ntok, _D), jnp.float32),
        scratch_types=[
            pltpu.VMEM((nch, _CH), jnp.int32),
            pltpu.VMEM((nch, _CH, _D), jnp.float32),
            pltpu.SemaphoreType.DMA,
        ],
    )
    def _gather(w_hbm, idx_hbm, out_hbm, idx_v, rows_v, sem):
        wid = lax.axis_index("s") * 2 + lax.axis_index("c")
        base = wid * bpw
        copies = []
        for j in range(nch):
            pltpu.sync_copy(idx_hbm.at[pl.ds(base + j * _CH, _CH)], idx_v.at[j])
            copies.append(
                pltpu.async_copy(w_hbm.at[idx_v.at[j]], rows_v.at[j], sem))
        for j in range(nch):
            copies[j].wait()
            pltpu.sync_copy(rows_v.at[j], out_hbm.at[pl.ds(base + j * _CH, _CH)])

    return _gather


def kernel(inputs, topic_embedding, theta, pretrain_vq, W):
    del theta
    Wsel = jnp.where(pretrain_vq != 0, topic_embedding, W)
    flat = inputs.reshape(_N, _D)
    idx2, minv2, psums = _make_dist_call(_N)(flat, Wsel)
    idx = idx2.reshape(_N)
    quantized = _make_gather(_N)(Wsel, idx)
    loss_commit = psums[0, 0]
    loss = loss_commit * _CC + loss_commit
    quantized_st = quantized.reshape(inputs.shape)
    encoding_indices = idx.reshape(inputs.shape[:-1])
    min_distances = minv2.reshape(inputs.shape[:-1])
    return (quantized_st, loss, encoding_indices, min_distances, loss_commit)

# --- scband reference (transcript-rebuilt; emitter-appended) ---
"""Pipeline reference for scband-vector-quantizer-17360257810582 (READ-ONLY COPY).

The authoritative reference and input builder live on the scoring server;
editing this copy changes nothing except your own understanding.
"""

import jax, jax.numpy as jnp
import numpy as np

NUM_EMB = 8192
EMB_DIM = 256
COMMITMENT_COST = 0.25


def setup_inputs(seed: int = 0) -> dict:
    key = jax.random.key(seed)
    k1, k2, k3, k4 = jax.random.split(key, 4)
    inputs = jax.random.normal(k1, (16, 576, 256), dtype=jnp.float32)
    topic_embedding = jax.random.normal(k2, (NUM_EMB, EMB_DIM), dtype=jnp.float32)
    theta = jax.random.uniform(k3, (16, NUM_EMB), dtype=jnp.float32)
    # learned codebook (nn.Embedding weight)
    W = jax.random.normal(k4, (NUM_EMB, EMB_DIM), dtype=jnp.float32) * 0.02
    return {"inputs": inputs, "topic_embedding": topic_embedding, "theta": theta, "pretrain_vq": 0, "W": W}


def reference(inputs, topic_embedding, theta, pretrain_vq, W):
    # pretrain_vq branch: replace codebook with topic embedding
    W = jnp.where(pretrain_vq != 0, topic_embedding, W)
    input_shape = inputs.shape
    flat_input = inputs.reshape(-1, EMB_DIM)
    # squared L2 distances to every code: ||x||^2 + ||e||^2 - 2 x e^T
    distances = (jnp.sum(flat_input ** 2, axis=1, keepdims=True)
                 + jnp.sum(W ** 2, axis=1)
                 - 2.0 * jnp.matmul(flat_input, W.T))
    encoding_indices = jnp.argmin(distances, axis=1)
    min_distances = jnp.min(distances, axis=1)
    encodings = jax.nn.one_hot(encoding_indices, NUM_EMB, dtype=jnp.float32)
    quantized = jnp.take(W, encoding_indices, axis=0).reshape(input_shape)
    # straight-through estimator
    quantized_st = inputs + jax.lax.stop_gradient(quantized - inputs)
    # straight-through on encodings via distances (non-packed path: postprocess is identity)
    enc_st = distances + jax.lax.stop_gradient(encodings - distances)
    enc_sum = jnp.sum(enc_st, axis=1)
    outputs_prob = jax.nn.softmax(enc_sum, axis=-1)  # computed but unused in output dict
    loss_vq = jnp.sum((quantized - jax.lax.stop_gradient(inputs)) ** 2)
    loss_commit = jnp.sum((inputs - jax.lax.stop_gradient(quantized)) ** 2)
    # use_ema = False -> loss = commit * cost + vq
    loss = loss_commit * COMMITMENT_COST + loss_vq
    encoding_indices = encoding_indices.reshape(input_shape[:-1])
    min_distances = min_distances.reshape(input_shape[:-1])
    return (quantized_st, loss, encoding_indices, min_distances, loss_commit)

if __name__ == "__main__":
    import jax
    _d = setup_inputs()
    print(jax.jit(kernel)(*tuple(_d.values())))

</pallas_src>

<mosaic_0001>
#map = affine_map<(d0, d1) -> (0, 0)>
#map1 = affine_map<(d0, d1) -> (0)>
module attributes {stable_mosaic.version = 14 : i64} {
  func.func @_gather(%arg0: i32, %arg1: i32, %arg2: memref<8192x256xf32, #tpu.memory_space<hbm>>, %arg3: memref<9216xi32, #tpu.memory_space<hbm>>, %arg4: memref<9216x256xf32, #tpu.memory_space<hbm>>, %arg5: memref<3x96xi32, #tpu.memory_space<vmem>>, %arg6: memref<3x96x256xf32, #tpu.memory_space<vmem>>, %arg7: memref<!tpu.dma_semaphore, #tpu.memory_space<semaphore_mem>>) attributes {dimension_semantics = [#tpu.dimension_semantics<core_parallel>, #tpu.dimension_semantics<subcore_parallel>], iteration_bounds = array<i64: 2, 16>, scalar_prefetch = 0 : i64, scratch_operands = 3 : i64, tpu.core_type = #tpu.core_type<sc_vector_subcore>, window_params = [{transform_indices = #map}, {transform_indices = #map1}, {transform_indices = #map}]} {
    %mul3A = arith.constant 2 : i32
    %mul3A_0 = arith.muli %arg1, %mul3A : i32
    %add3A = arith.addi %mul3A_0, %arg0 : i32
    %mul3A_1 = arith.constant 288 : i32
    %mul3A_2 = arith.muli %add3A, %mul3A_1 : i32
    %add3A_3 = arith.constant 0 : i32
    %add3A_4 = arith.addi %mul3A_2, %add3A_3 : i32
    %run_scoped3A = arith.constant 0 : i32
    "tpu.region"() ({
      %run_scoped3A_90 = tpu.sem_alloc : memref<!tpu.dma_semaphore, #tpu.memory_space<semaphore_mem>>
      %dma_start3A_91 = arith.constant 0 : i32
      %dma_start3A_92 = tpu.memref_slice %arg5[%run_scoped3A, %dma_start3A_91] : memref<3x96xi32, #tpu.memory_space<vmem>> -> memref<1x96xi32, #tpu.memory_space<vmem>>
      %dma_start3A_93 = tpu.memref_squeeze %dma_start3A_92 : memref<1x96xi32, #tpu.memory_space<vmem>> -> memref<96xi32, #tpu.memory_space<vmem>>
      %dma_start3A_94 = tpu.memref_slice %arg3[%add3A_4] : memref<9216xi32, #tpu.memory_space<hbm>> -> memref<96xi32, #tpu.memory_space<hbm>>
      %dma_start3A_95 = arith.constant 0 : i32
      %dma_start3A_96 = tpu.memref_slice %arg5[%run_scoped3A, %dma_start3A_95] : memref<3x96xi32, #tpu.memory_space<vmem>> -> memref<1x96xi32, #tpu.memory_space<vmem>>
      %dma_start3A_97 = tpu.memref_squeeze %dma_start3A_96 : memref<1x96xi32, #tpu.memory_space<vmem>> -> memref<96xi32, #tpu.memory_space<vmem>>
      %dma_start3A_98 = tpu.memref_slice %arg3[%add3A_4] : memref<9216xi32, #tpu.memory_space<hbm>> -> memref<96xi32, #tpu.memory_space<hbm>>
      tpu.enqueue_dma source(%dma_start3A_98 : memref<96xi32, #tpu.memory_space<hbm>>) target(%dma_start3A_97 : memref<96xi32, #tpu.memory_space<vmem>>) target_semaphore(%run_scoped3A_90 : memref<!tpu.dma_semaphore, #tpu.memory_space<semaphore_mem>>)
      %dma_wait3A_99 = arith.constant 0 : i32
      %dma_wait3A_100 = tpu.memref_slice %arg5[%run_scoped3A, %dma_wait3A_99] : memref<3x96xi32, #tpu.memory_space<vmem>> -> memref<1x96xi32, #tpu.memory_space<vmem>>
      %dma_wait3A_101 = tpu.memref_squeeze %dma_wait3A_100 : memref<1x96xi32, #tpu.memory_space<vmem>> -> memref<96xi32, #tpu.memory_space<vmem>>
      %dma_wait3A_102 = tpu.memref_slice %arg3[%add3A_4] : memref<9216xi32, #tpu.memory_space<hbm>> -> memref<96xi32, #tpu.memory_space<hbm>>
      %dma_wait3A_103 = arith.constant 0 : i32
      %dma_wait3A_104 = tpu.memref_slice %arg5[%run_scoped3A, %dma_wait3A_103] : memref<3x96xi32, #tpu.memory_space<vmem>> -> memref<1x96xi32, #tpu.memory_space<vmem>>
      %dma_wait3A_105 = tpu.memref_squeeze %dma_wait3A_104 : memref<1x96xi32, #tpu.memory_space<vmem>> -> memref<96xi32, #tpu.memory_space<vmem>>
      %dma_wait3A_106 = tpu.memref_slice %arg3[%add3A_4] : memref<9216xi32, #tpu.memory_space<hbm>> -> memref<96xi32, #tpu.memory_space<hbm>>
      tpu.wait_dma2 semaphore(%run_scoped3A_90 : memref<!tpu.dma_semaphore, #tpu.memory_space<semaphore_mem>>) src(%dma_wait3A_106 : memref<96xi32, #tpu.memory_space<hbm>>) dst(%dma_wait3A_105 : memref<96xi32, #tpu.memory_space<vmem>>)
      tpu.yield
    }) : () -> ()
    %dma_start3A = arith.constant 0 : i32
    %dma_start3A_5 = arith.constant 0 : i32
    %dma_start3A_6 = arith.constant 0 : i32
    %dma_start3A_7 = arith.constant 0 : i32
    %dma_start3A_8 = tpu.memref_slice %arg6[%dma_start3A_5, %dma_start3A_6, %dma_start3A_7] : memref<3x96x256xf32, #tpu.memory_space<vmem>> -> memref<1x96x256xf32, #tpu.memory_space<vmem>>
    %dma_start3A_9 = tpu.memref_squeeze %dma_start3A_8 : memref<1x96x256xf32, #tpu.memory_space<vmem>> -> memref<96x256xf32, #tpu.memory_space<vmem>>
    %dma_start3A_10 = arith.constant 0 : i32
    %dma_start3A_11 = tpu.memref_slice %arg5[%dma_start3A, %dma_start3A_10] : memref<3x96xi32, #tpu.memory_space<vmem>> -> memref<1x96xi32, #tpu.memory_space<vmem>>
    %dma_start3A_12 = tpu.memref_squeeze %dma_start3A_11 : memref<1x96xi32, #tpu.memory_space<vmem>> -> memref<96xi32, #tpu.memory_space<vmem>>
    %dma_start3A_13 = arith.constant 0 : i32
    %dma_start3A_14 = arith.constant 0 : i32
    %dma_start3A_15 = tpu.memref_slice %arg2[%dma_start3A_13, %dma_start3A_14] : memref<8192x256xf32, #tpu.memory_space<hbm>> -> memref<8192x256xf32, #tpu.memory_space<hbm>>
    tpu.enqueue_indirect_dma source(%dma_start3A_15 : memref<8192x256xf32, #tpu.memory_space<hbm>>) target(%dma_start3A_9 : memref<96x256xf32, #tpu.memory_space<vmem>>) offsets(%dma_start3A_12 : memref<96xi32, #tpu.memory_space<vmem>>) semaphore(%arg7 : memref<!tpu.dma_semaphore, #tpu.memory_space<semaphore_mem>>)
    %add3A_16 = arith.constant 96 : i32
    %add3A_17 = arith.addi %mul3A_2, %add3A_16 : i32
    %run_scoped3A_18 = arith.constant 1 : i32
    "tpu.region"() ({
      %run_scoped3A_90 = tpu.sem_alloc : memref<!tpu.dma_semaphore, #tpu.memory_space<semaphore_mem>>
      %dma_start3A_91 = arith.constant 0 : i32
      %dma_start3A_92 = tpu.memref_slice %arg5[%run_scoped3A_18, %dma_start3A_91] : memref<3x96xi32, #tpu.memory_space<vmem>> -> memref<1x96xi32, #tpu.memory_space<vmem>>
      %dma_start3A_93 = tpu.memref_squeeze %dma_start3A_92 : memref<1x96xi32, #tpu.memory_space<vmem>> -> memref<96xi32, #tpu.memory_space<vmem>>
      %dma_start3A_94 = tpu.memref_slice %arg3[%add3A_17] : memref<9216xi32, #tpu.memory_space<hbm>> -> memref<96xi32, #tpu.memory_space<hbm>>
      %dma_start3A_95 = arith.constant 0 : i32
      %dma_start3A_96 = tpu.memref_slice %arg5[%run_scoped3A_18, %dma_start3A_95] : memref<3x96xi32, #tpu.memory_space<vmem>> -> memref<1x96xi32, #tpu.memory_space<vmem>>
      %dma_start3A_97 = tpu.memref_squeeze %dma_start3A_96 : memref<1x96xi32, #tpu.memory_space<vmem>> -> memref<96xi32, #tpu.memory_space<vmem>>
      %dma_start3A_98 = tpu.memref_slice %arg3[%add3A_17] : memref<9216xi32, #tpu.memory_space<hbm>> -> memref<96xi32, #tpu.memory_space<hbm>>
      tpu.enqueue_dma source(%dma_start3A_98 : memref<96xi32, #tpu.memory_space<hbm>>) target(%dma_start3A_97 : memref<96xi32, #tpu.memory_space<vmem>>) target_semaphore(%run_scoped3A_90 : memref<!tpu.dma_semaphore, #tpu.memory_space<semaphore_mem>>)
      %dma_wait3A_99 = arith.constant 0 : i32
      %dma_wait3A_100 = tpu.memref_slice %arg5[%run_scoped3A_18, %dma_wait3A_99] : memref<3x96xi32, #tpu.memory_space<vmem>> -> memref<1x96xi32, #tpu.memory_space<vmem>>
      %dma_wait3A_101 = tpu.memref_squeeze %dma_wait3A_100 : memref<1x96xi32, #tpu.memory_space<vmem>> -> memref<96xi32, #tpu.memory_space<vmem>>
      %dma_wait3A_102 = tpu.memref_slice %arg3[%add3A_17] : memref<9216xi32, #tpu.memory_space<hbm>> -> memref<96xi32, #tpu.memory_space<hbm>>
      %dma_wait3A_103 = arith.constant 0 : i32
      %dma_wait3A_104 = tpu.memref_slice %arg5[%run_scoped3A_18, %dma_wait3A_103] : memref<3x96xi32, #tpu.memory_space<vmem>> -> memref<1x96xi32, #tpu.memory_space<vmem>>
      %dma_wait3A_105 = tpu.memref_squeeze %dma_wait3A_104 : memref<1x96xi32, #tpu.memory_space<vmem>> -> memref<96xi32, #tpu.memory_space<vmem>>
      %dma_wait3A_106 = tpu.memref_slice %arg3[%add3A_17] : memref<9216xi32, #tpu.memory_space<hbm>> -> memref<96xi32, #tpu.memory_space<hbm>>
      tpu.wait_dma2 semaphore(%run_scoped3A_90 : memref<!tpu.dma_semaphore, #tpu.memory_space<semaphore_mem>>) src(%dma_wait3A_106 : memref<96xi32, #tpu.memory_space<hbm>>) dst(%dma_wait3A_105 : memref<96xi32, #tpu.memory_space<vmem>>)
      tpu.yield
    }) : () -> ()
    %dma_start3A_19 = arith.constant 1 : i32
    %dma_start3A_20 = arith.constant 1 : i32
    %dma_start3A_21 = arith.constant 0 : i32
    %dma_start3A_22 = arith.constant 0 : i32
    %dma_start3A_23 = tpu.memref_slice %arg6[%dma_start3A_20, %dma_start3A_21, %dma_start3A_22] : memref<3x96x256xf32, #tpu.memory_space<vmem>> -> memref<1x96x256xf32, #tpu.memory_space<vmem>>
    %dma_start3A_24 = tpu.memref_squeeze %dma_start3A_23 : memref<1x96x256xf32, #tpu.memory_space<vmem>> -> memref<96x256xf32, #tpu.memory_space<vmem>>
    %dma_start3A_25 = arith.constant 0 : i32
    %dma_start3A_26 = tpu.memref_slice %arg5[%dma_start3A_19, %dma_start3A_25] : memref<3x96xi32, #tpu.memory_space<vmem>> -> memref<1x96xi32, #tpu.memory_space<vmem>>
    %dma_start3A_27 = tpu.memref_squeeze %dma_start3A_26 : memref<1x96xi32, #tpu.memory_space<vmem>> -> memref<96xi32, #tpu.memory_space<vmem>>
    %dma_start3A_28 = arith.constant 0 : i32
    %dma_start3A_29 = arith.constant 0 : i32
    %dma_start3A_30 = tpu.memref_slice %arg2[%dma_start3A_28, %dma_start3A_29] : memref<8192x256xf32, #tpu.memory_space<hbm>> -> memref<8192x256xf32, #tpu.memory_space<hbm>>
    tpu.enqueue_indirect_dma source(%dma_start3A_30 : memref<8192x256xf32, #tpu.memory_space<hbm>>) target(%dma_start3A_24 : memref<96x256xf32, #tpu.memory_space<vmem>>) offsets(%dma_start3A_27 : memref<96xi32, #tpu.memory_space<vmem>>) semaphore(%arg7 : memref<!tpu.dma_semaphore, #tpu.memory_space<semaphore_mem>>)
    %add3A_31 = arith.constant 192 : i32
    %add3A_32 = arith.addi %mul3A_2, %add3A_31 : i32
    %run_scoped3A_33 = arith.constant 2 : i32
    "tpu.region"() ({
      %run_scoped3A_90 = tpu.sem_alloc : memref<!tpu.dma_semaphore, #tpu.memory_space<semaphore_mem>>
      %dma_start3A_91 = arith.constant 0 : i32
      %dma_start3A_92 = tpu.memref_slice %arg5[%run_scoped3A_33, %dma_start3A_91] : memref<3x96xi32, #tpu.memory_space<vmem>> -> memref<1x96xi32, #tpu.memory_space<vmem>>
      %dma_start3A_93 = tpu.memref_squeeze %dma_start3A_92 : memref<1x96xi32, #tpu.memory_space<vmem>> -> memref<96xi32, #tpu.memory_space<vmem>>
      %dma_start3A_94 = tpu.memref_slice %arg3[%add3A_32] : memref<9216xi32, #tpu.memory_space<hbm>> -> memref<96xi32, #tpu.memory_space<hbm>>
      %dma_start3A_95 = arith.constant 0 : i32
      %dma_start3A_96 = tpu.memref_slice %arg5[%run_scoped3A_33, %dma_start3A_95] : memref<3x96xi32, #tpu.memory_space<vmem>> -> memref<1x96xi32, #tpu.memory_space<vmem>>
      %dma_start3A_97 = tpu.memref_squeeze %dma_start3A_96 : memref<1x96xi32, #tpu.memory_space<vmem>> -> memref<96xi32, #tpu.memory_space<vmem>>
      %dma_start3A_98 = tpu.memref_slice %arg3[%add3A_32] : memref<9216xi32, #tpu.memory_space<hbm>> -> memref<96xi32, #tpu.memory_space<hbm>>
      tpu.enqueue_dma source(%dma_start3A_98 : memref<96xi32, #tpu.memory_space<hbm>>) target(%dma_start3A_97 : memref<96xi32, #tpu.memory_space<vmem>>) target_semaphore(%run_scoped3A_90 : memref<!tpu.dma_semaphore, #tpu.memory_space<semaphore_mem>>)
      %dma_wait3A_99 = arith.constant 0 : i32
      %dma_wait3A_100 = tpu.memref_slice %arg5[%run_scoped3A_33, %dma_wait3A_99] : memref<3x96xi32, #tpu.memory_space<vmem>> -> memref<1x96xi32, #tpu.memory_space<vmem>>
      %dma_wait3A_101 = tpu.memref_squeeze %dma_wait3A_100 : memref<1x96xi32, #tpu.memory_space<vmem>> -> memref<96xi32, #tpu.memory_space<vmem>>
      %dma_wait3A_102 = tpu.memref_slice %arg3[%add3A_32] : memref<9216xi32, #tpu.memory_space<hbm>> -> memref<96xi32, #tpu.memory_space<hbm>>
      %dma_wait3A_103 = arith.constant 0 : i32
      %dma_wait3A_104 = tpu.memref_slice %arg5[%run_scoped3A_33, %dma_wait3A_103] : memref<3x96xi32, #tpu.memory_space<vmem>> -> memref<1x96xi32, #tpu.memory_space<vmem>>
      %dma_wait3A_105 = tpu.memref_squeeze %dma_wait3A_104 : memref<1x96xi32, #tpu.memory_space<vmem>> -> memref<96xi32, #tpu.memory_space<vmem>>
      %dma_wait3A_106 = tpu.memref_slice %arg3[%add3A_32] : memref<9216xi32, #tpu.memory_space<hbm>> -> memref<96xi32, #tpu.memory_space<hbm>>
      tpu.wait_dma2 semaphore(%run_scoped3A_90 : memref<!tpu.dma_semaphore, #tpu.memory_space<semaphore_mem>>) src(%dma_wait3A_106 : memref<96xi32, #tpu.memory_space<hbm>>) dst(%dma_wait3A_105 : memref<96xi32, #tpu.memory_space<vmem>>)
      tpu.yield
    }) : () -> ()
    %dma_start3A_34 = arith.constant 2 : i32
    %dma_start3A_35 = arith.constant 2 : i32
    %dma_start3A_36 = arith.constant 0 : i32
    %dma_start3A_37 = arith.constant 0 : i32
    %dma_start3A_38 = tpu.memref_slice %arg6[%dma_start3A_35, %dma_start3A_36, %dma_start3A_37] : memref<3x96x256xf32, #tpu.memory_space<vmem>> -> memref<1x96x256xf32, #tpu.memory_space<vmem>>
    %dma_start3A_39 = tpu.memref_squeeze %dma_start3A_38 : memref<1x96x256xf32, #tpu.memory_space<vmem>> -> memref<96x256xf32, #tpu.memory_space<vmem>>
    %dma_start3A_40 = arith.constant 0 : i32
    %dma_start3A_41 = tpu.memref_slice %arg5[%dma_start3A_34, %dma_start3A_40] : memref<3x96xi32, #tpu.memory_space<vmem>> -> memref<1x96xi32, #tpu.memory_space<vmem>>
    %dma_start3A_42 = tpu.memref_squeeze %dma_start3A_41 : memref<1x96xi32, #tpu.memory_space<vmem>> -> memref<96xi32, #tpu.memory_space<vmem>>
    %dma_start3A_43 = arith.constant 0 : i32
    %dma_start3A_44 = arith.constant 0 : i32
    %dma_start3A_45 = tpu.memref_slice %arg2[%dma_start3A_43, %dma_start3A_44] : memref<8192x256xf32, #tpu.memory_space<hbm>> -> memref<8192x256xf32, #tpu.memory_space<hbm>>
    tpu.enqueue_indirect_dma source(%dma_start3A_45 : memref<8192x256xf32, #tpu.memory_space<hbm>>) target(%dma_start3A_39 : memref<96x256xf32, #tpu.memory_space<vmem>>) offsets(%dma_start3A_42 : memref<96xi32, #tpu.memory_space<vmem>>) semaphore(%arg7 : memref<!tpu.dma_semaphore, #tpu.memory_space<semaphore_mem>>)
    %dma_wait3A = arith.constant 0 : i32
    %dma_wait3A_46 = arith.constant 0 : i32
    %dma_wait3A_47 = arith.constant 0 : i32
    %dma_wait3A_48 = arith.constant 0 : i32
    %dma_wait3A_49 = tpu.memref_slice %arg6[%dma_wait3A_46, %dma_wait3A_47, %dma_wait3A_48] : memref<3x96x256xf32, #tpu.memory_space<vmem>> -> memref<1x96x256xf32, #tpu.memory_space<vmem>>
    %dma_wait3A_50 = tpu.memref_squeeze %dma_wait3A_49 : memref<1x96x256xf32, #tpu.memory_space<vmem>> -> memref<96x256xf32, #tpu.memory_space<vmem>>
    %dma_wait3A_51 = arith.constant 0 : i32
    %dma_wait3A_52 = tpu.memref_slice %arg5[%dma_wait3A, %dma_wait3A_51] : memref<3x96xi32, #tpu.memory_space<vmem>> -> memref<1x96xi32, #tpu.memory_space<vmem>>
    %dma_wait3A_53 = tpu.memref_squeeze %dma_wait3A_52 : memref<1x96xi32, #tpu.memory_space<vmem>> -> memref<96xi32, #tpu.memory_space<vmem>>
    %dma_wait3A_54 = arith.constant 0 : i32
    %dma_wait3A_55 = arith.constant 0 : i32
    %dma_wait3A_56 = tpu.memref_slice %arg2[%dma_wait3A_54, %dma_wait3A_55] : memref<8192x256xf32, #tpu.memory_space<hbm>> -> memref<8192x256xf32, #tpu.memory_space<hbm>>
    tpu.wait_indirect_dma semaphore(%arg7 : memref<!tpu.dma_semaphore, #tpu.memory_space<semaphore_mem>>) src(%dma_wait3A_56 : memref<8192x256xf32, #tpu.memory_space<hbm>>) dst(%dma_wait3A_50 : memref<96x256xf32, #tpu.memory_space<vmem>>)
    %add3A_57 = arith.constant 0 : i32
    %add3A_58 = arith.addi %mul3A_2, %add3A_57 : i32
    %run_scoped3A_59 = arith.constant 0 : i32
    "tpu.region"() ({
      %run_scoped3A_90 = tpu.sem_alloc : memref<!tpu.dma_semaphore, #tpu.memory_space<semaphore_mem>>
      %dma_start3A_91 = arith.constant 0 : i32
      %dma_start3A_92 = arith.constant 0 : i32
      %dma_start3A_93 = tpu.memref_slice %arg6[%run_scoped3A_59, %dma_start3A_91, %dma_start3A_92] : memref<3x96x256xf32, #tpu.memory_space<vmem>> -> memref<1x96x256xf32, #tpu.memory_space<vmem>>
      %dma_start3A_94 = tpu.memref_squeeze %dma_start3A_93 : memref<1x96x256xf32, #tpu.memory_space<vmem>> -> memref<96x256xf32, #tpu.memory_space<vmem>>
      %dma_start3A_95 = arith.constant 0 : i32
      %dma_start3A_96 = tpu.memref_slice %arg4[%add3A_58, %dma_start3A_95] : memref<9216x256xf32, #tpu.memory_space<hbm>> -> memref<96x256xf32, #tpu.memory_space<hbm>>
      %dma_start3A_97 = arith.constant 0 : i32
      %dma_start3A_98 = tpu.memref_slice %arg4[%add3A_58, %dma_start3A_97] : memref<9216x256xf32, #tpu.memory_space<hbm>> -> memref<96x256xf32, #tpu.memory_space<hbm>>
      %dma_start3A_99 = arith.constant 0 : i32
      %dma_start3A_100 = arith.constant 0 : i32
      %dma_start3A_101 = tpu.memref_slice %arg6[%run_scoped3A_59, %dma_start3A_99, %dma_start3A_100] : memref<3x96x256xf32, #tpu.memory_space<vmem>> -> memref<1x96x256xf32, #tpu.memory_space<vmem>>
      %dma_start3A_102 = tpu.memref_squeeze %dma_start3A_101 : memref<1x96x256xf32, #tpu.memory_space<vmem>> -> memref<96x256xf32, #tpu.memory_space<vmem>>
      tpu.enqueue_dma source(%dma_start3A_102 : memref<96x256xf32, #tpu.memory_space<vmem>>) target(%dma_start3A_98 : memref<96x256xf32, #tpu.memory_space<hbm>>) target_semaphore(%run_scoped3A_90 : memref<!tpu.dma_semaphore, #tpu.memory_space<semaphore_mem>>)
      %dma_wait3A_103 = arith.constant 0 : i32
      %dma_wait3A_104 = arith.constant 0 : i32
      %dma_wait3A_105 = tpu.memref_slice %arg6[%run_scoped3A_59, %dma_wait3A_103, %dma_wait3A_104] : memref<3x96x256xf32, #tpu.memory_space<vmem>> -> memref<1x96x256xf32, #tpu.memory_space<vmem>>
      %dma_wait3A_106 = tpu.memref_squeeze %dma_wait3A_105 : memref<1x96x256xf32, #tpu.memory_space<vmem>> -> memref<96x256xf32, #tpu.memory_space<vmem>>
      %dma_wait3A_107 = arith.constant 0 : i32
      %dma_wait3A_108 = tpu.memref_slice %arg4[%add3A_58, %dma_wait3A_107] : memref<9216x256xf32, #tpu.memory_space<hbm>> -> memref<96x256xf32, #tpu.memory_space<hbm>>
      %dma_wait3A_109 = arith.constant 0 : i32
      %dma_wait3A_110 = tpu.memref_slice %arg4[%add3A_58, %dma_wait3A_109] : memref<9216x256xf32, #tpu.memory_space<hbm>> -> memref<96x256xf32, #tpu.memory_space<hbm>>
      %dma_wait3A_111 = arith.constant 0 : i32
      %dma_wait3A_112 = arith.constant 0 : i32
      %dma_wait3A_113 = tpu.memref_slice %arg6[%run_scoped3A_59, %dma_wait3A_111, %dma_wait3A_112] : memref<3x96x256xf32, #tpu.memory_space<vmem>> -> memref<1x96x256xf32, #tpu.memory_space<vmem>>
      %dma_wait3A_114 = tpu.memref_squeeze %dma_wait3A_113 : memref<1x96x256xf32, #tpu.memory_space<vmem>> -> memref<96x256xf32, #tpu.memory_space<vmem>>
      tpu.wait_dma2 semaphore(%run_scoped3A_90 : memref<!tpu.dma_semaphore, #tpu.memory_space<semaphore_mem>>) src(%dma_wait3A_114 : memref<96x256xf32, #tpu.memory_space<vmem>>) dst(%dma_wait3A_110 : memref<96x256xf32, #tpu.memory_space<hbm>>)
      tpu.yield
    }) : () -> ()
    %dma_wait3A_60 = arith.constant 1 : i32
    %dma_wait3A_61 = arith.constant 1 : i32
    %dma_wait3A_62 = arith.constant 0 : i32
    %dma_wait3A_63 = arith.constant 0 : i32
    %dma_wait3A_64 = tpu.memref_slice %arg6[%dma_wait3A_61, %dma_wait3A_62, %dma_wait3A_63] : memref<3x96x256xf32, #tpu.memory_space<vmem>> -> memref<1x96x256xf32, #tpu.memory_space<vmem>>
    %dma_wait3A_65 = tpu.memref_squeeze %dma_wait3A_64 : memref<1x96x256xf32, #tpu.memory_space<vmem>> -> memref<96x256xf32, #tpu.memory_space<vmem>>
    %dma_wait3A_66 = arith.constant 0 : i32
    %dma_wait3A_67 = tpu.memref_slice %arg5[%dma_wait3A_60, %dma_wait3A_66] : memref<3x96xi32, #tpu.memory_space<vmem>> -> memref<1x96xi32, #tpu.memory_space<vmem>>
    %dma_wait3A_68 = tpu.memref_squeeze %dma_wait3A_67 : memref<1x96xi32, #tpu.memory_space<vmem>> -> memref<96xi32, #tpu.memory_space<vmem>>
    %dma_wait3A_69 = arith.constant 0 : i32
    %dma_wait3A_70 = arith.constant 0 : i32
    %dma_wait3A_71 = tpu.memref_slice %arg2[%dma_wait3A_69, %dma_wait3A_70] : memref<8192x256xf32, #tpu.memory_space<hbm>> -> memref<8192x256xf32, #tpu.memory_space<hbm>>
    tpu.wait_indirect_dma semaphore(%arg7 : memref<!tpu.dma_semaphore, #tpu.memory_space<semaphore_mem>>) src(%dma_wait3A_71 : memref<8192x256xf32, #tpu.memory_space<hbm>>) dst(%dma_wait3A_65 : memref<96x256xf32, #tpu.memory_space<vmem>>)
    %add3A_72 = arith.constant 96 : i32
    %add3A_73 = arith.addi %mul3A_2, %add3A_72 : i32
    %run_scoped3A_74 = arith.constant 1 : i32
    "tpu.region"() ({
      %run_scoped3A_90 = tpu.sem_alloc : memref<!tpu.dma_semaphore, #tpu.memory_space<semaphore_mem>>
      %dma_start3A_91 = arith.constant 0 : i32
      %dma_start3A_92 = arith.constant 0 : i32
      %dma_start3A_93 = tpu.memref_slice %arg6[%run_scoped3A_74, %dma_start3A_91, %dma_start3A_92] : memref<3x96x256xf32, #tpu.memory_space<vmem>> -> memref<1x96x256xf32, #tpu.memory_space<vmem>>
      %dma_start3A_94 = tpu.memref_squeeze %dma_start3A_93 : memref<1x96x256xf32, #tpu.memory_space<vmem>> -> memref<96x256xf32, #tpu.memory_space<vmem>>
      %dma_start3A_95 = arith.constant 0 : i32
      %dma_start3A_96 = tpu.memref_slice %arg4[%add3A_73, %dma_start3A_95] : memref<9216x256xf32, #tpu.memory_space<hbm>> -> memref<96x256xf32, #tpu.memory_space<hbm>>
      %dma_start3A_97 = arith.constant 0 : i32
      %dma_start3A_98 = tpu.memref_slice %arg4[%add3A_73, %dma_start3A_97] : memref<9216x256xf32, #tpu.memory_space<hbm>> -> memref<96x256xf32, #tpu.memory_space<hbm>>
      %dma_start3A_99 = arith.constant 0 : i32
      %dma_start3A_100 = arith.constant 0 : i32
      %dma_start3A_101 = tpu.memref_slice %arg6[%run_scoped3A_74, %dma_start3A_99, %dma_start3A_100] : memref<3x96x256xf32, #tpu.memory_space<vmem>> -> memref<1x96x256xf32, #tpu.memory_space<vmem>>
      %dma_start3A_102 = tpu.memref_squeeze %dma_start3A_101 : memref<1x96x256xf32, #tpu.memory_space<vmem>> -> memref<96x256xf32, #tpu.memory_space<vmem>>
      tpu.enqueue_dma source(%dma_start3A_102 : memref<96x256xf32, #tpu.memory_space<vmem>>) target(%dma_start3A_98 : memref<96x256xf32, #tpu.memory_space<hbm>>) target_semaphore(%run_scoped3A_90 : memref<!tpu.dma_semaphore, #tpu.memory_space<semaphore_mem>>)
      %dma_wait3A_103 = arith.constant 0 : i32
      %dma_wait3A_104 = arith.constant 0 : i32
      %dma_wait3A_105 = tpu.memref_slice %arg6[%run_scoped3A_74, %dma_wait3A_103, %dma_wait3A_104] : memref<3x96x256xf32, #tpu.memory_space<vmem>> -> memref<1x96x256xf32, #tpu.memory_space<vmem>>
      %dma_wait3A_106 = tpu.memref_squeeze %dma_wait3A_105 : memref<1x96x256xf32, #tpu.memory_space<vmem>> -> memref<96x256xf32, #tpu.memory_space<vmem>>
      %dma_wait3A_107 = arith.constant 0 : i32
      %dma_wait3A_108 = tpu.memref_slice %arg4[%add3A_73, %dma_wait3A_107] : memref<9216x256xf32, #tpu.memory_space<hbm>> -> memref<96x256xf32, #tpu.memory_space<hbm>>
      %dma_wait3A_109 = arith.constant 0 : i32
      %dma_wait3A_110 = tpu.memref_slice %arg4[%add3A_73, %dma_wait3A_109] : memref<9216x256xf32, #tpu.memory_space<hbm>> -> memref<96x256xf32, #tpu.memory_space<hbm>>
      %dma_wait3A_111 = arith.constant 0 : i32
      %dma_wait3A_112 = arith.constant 0 : i32
      %dma_wait3A_113 = tpu.memref_slice %arg6[%run_scoped3A_74, %dma_wait3A_111, %dma_wait3A_112] : memref<3x96x256xf32, #tpu.memory_space<vmem>> -> memref<1x96x256xf32, #tpu.memory_space<vmem>>
      %dma_wait3A_114 = tpu.memref_squeeze %dma_wait3A_113 : memref<1x96x256xf32, #tpu.memory_space<vmem>> -> memref<96x256xf32, #tpu.memory_space<vmem>>
      tpu.wait_dma2 semaphore(%run_scoped3A_90 : memref<!tpu.dma_semaphore, #tpu.memory_space<semaphore_mem>>) src(%dma_wait3A_114 : memref<96x256xf32, #tpu.memory_space<vmem>>) dst(%dma_wait3A_110 : memref<96x256xf32, #tpu.memory_space<hbm>>)
      tpu.yield
    }) : () -> ()
    %dma_wait3A_75 = arith.constant 2 : i32
    %dma_wait3A_76 = arith.constant 2 : i32
    %dma_wait3A_77 = arith.constant 0 : i32
    %dma_wait3A_78 = arith.constant 0 : i32
    %dma_wait3A_79 = tpu.memref_slice %arg6[%dma_wait3A_76, %dma_wait3A_77, %dma_wait3A_78] : memref<3x96x256xf32, #tpu.memory_space<vmem>> -> memref<1x96x256xf32, #tpu.memory_space<vmem>>
    %dma_wait3A_80 = tpu.memref_squeeze %dma_wait3A_79 : memref<1x96x256xf32, #tpu.memory_space<vmem>> -> memref<96x256xf32, #tpu.memory_space<vmem>>
    %dma_wait3A_81 = arith.constant 0 : i32
    %dma_wait3A_82 = tpu.memref_slice %arg5[%dma_wait3A_75, %dma_wait3A_81] : memref<3x96xi32, #tpu.memory_space<vmem>> -> memref<1x96xi32, #tpu.memory_space<vmem>>
    %dma_wait3A_83 = tpu.memref_squeeze %dma_wait3A_82 : memref<1x96xi32, #tpu.memory_space<vmem>> -> memref<96xi32, #tpu.memory_space<vmem>>
    %dma_wait3A_84 = arith.constant 0 : i32
    %dma_wait3A_85 = arith.constant 0 : i32
    %dma_wait3A_86 = tpu.memref_slice %arg2[%dma_wait3A_84, %dma_wait3A_85] : memref<8192x256xf32, #tpu.memory_space<hbm>> -> memref<8192x256xf32, #tpu.memory_space<hbm>>
    tpu.wait_indirect_dma semaphore(%arg7 : memref<!tpu.dma_semaphore, #tpu.memory_space<semaphore_mem>>) src(%dma_wait3A_86 : memref<8192x256xf32, #tpu.memory_space<hbm>>) dst(%dma_wait3A_80 : memref<96x256xf32, #tpu.memory_space<vmem>>)
    %add3A_87 = arith.constant 192 : i32
    %add3A_88 = arith.addi %mul3A_2, %add3A_87 : i32
    %run_scoped3A_89 = arith.constant 2 : i32
    "tpu.region"() ({
      %run_scoped3A_90 = tpu.sem_alloc : memref<!tpu.dma_semaphore, #tpu.memory_space<semaphore_mem>>
      %dma_start3A_91 = arith.constant 0 : i32
      %dma_start3A_92 = arith.constant 0 : i32
      %dma_start3A_93 = tpu.memref_slice %arg6[%run_scoped3A_89, %dma_start3A_91, %dma_start3A_92] : memref<3x96x256xf32, #tpu.memory_space<vmem>> -> memref<1x96x256xf32, #tpu.memory_space<vmem>>
      %dma_start3A_94 = tpu.memref_squeeze %dma_start3A_93 : memref<1x96x256xf32, #tpu.memory_space<vmem>> -> memref<96x256xf32, #tpu.memory_space<vmem>>
      %dma_start3A_95 = arith.constant 0 : i32
      %dma_start3A_96 = tpu.memref_slice %arg4[%add3A_88, %dma_start3A_95] : memref<9216x256xf32, #tpu.memory_space<hbm>> -> memref<96x256xf32, #tpu.memory_space<hbm>>
      %dma_start3A_97 = arith.constant 0 : i32
      %dma_start3A_98 = tpu.memref_slice %arg4[%add3A_88, %dma_start3A_97] : memref<9216x256xf32, #tpu.memory_space<hbm>> -> memref<96x256xf32, #tpu.memory_space<hbm>>
      %dma_start3A_99 = arith.constant 0 : i32
      %dma_start3A_100 = arith.constant 0 : i32
      %dma_start3A_101 = tpu.memref_slice %arg6[%run_scoped3A_89, %dma_start3A_99, %dma_start3A_100] : memref<3x96x256xf32, #tpu.memory_space<vmem>> -> memref<1x96x256xf32, #tpu.memory_space<vmem>>
      %dma_start3A_102 = tpu.memref_squeeze %dma_start3A_101 : memref<1x96x256xf32, #tpu.memory_space<vmem>> -> memref<96x256xf32, #tpu.memory_space<vmem>>
      tpu.enqueue_dma source(%dma_start3A_102 : memref<96x256xf32, #tpu.memory_space<vmem>>) target(%dma_start3A_98 : memref<96x256xf32, #tpu.memory_space<hbm>>) target_semaphore(%run_scoped3A_90 : memref<!tpu.dma_semaphore, #tpu.memory_space<semaphore_mem>>)
      %dma_wait3A_103 = arith.constant 0 : i32
      %dma_wait3A_104 = arith.constant 0 : i32
      %dma_wait3A_105 = tpu.memref_slice %arg6[%run_scoped3A_89, %dma_wait3A_103, %dma_wait3A_104] : memref<3x96x256xf32, #tpu.memory_space<vmem>> -> memref<1x96x256xf32, #tpu.memory_space<vmem>>
      %dma_wait3A_106 = tpu.memref_squeeze %dma_wait3A_105 : memref<1x96x256xf32, #tpu.memory_space<vmem>> -> memref<96x256xf32, #tpu.memory_space<vmem>>
      %dma_wait3A_107 = arith.constant 0 : i32
      %dma_wait3A_108 = tpu.memref_slice %arg4[%add3A_88, %dma_wait3A_107] : memref<9216x256xf32, #tpu.memory_space<hbm>> -> memref<96x256xf32, #tpu.memory_space<hbm>>
      %dma_wait3A_109 = arith.constant 0 : i32
      %dma_wait3A_110 = tpu.memref_slice %arg4[%add3A_88, %dma_wait3A_109] : memref<9216x256xf32, #tpu.memory_space<hbm>> -> memref<96x256xf32, #tpu.memory_space<hbm>>
      %dma_wait3A_111 = arith.constant 0 : i32
      %dma_wait3A_112 = arith.constant 0 : i32
      %dma_wait3A_113 = tpu.memref_slice %arg6[%run_scoped3A_89, %dma_wait3A_111, %dma_wait3A_112] : memref<3x96x256xf32, #tpu.memory_space<vmem>> -> memref<1x96x256xf32, #tpu.memory_space<vmem>>
      %dma_wait3A_114 = tpu.memref_squeeze %dma_wait3A_113 : memref<1x96x256xf32, #tpu.memory_space<vmem>> -> memref<96x256xf32, #tpu.memory_space<vmem>>
      tpu.wait_dma2 semaphore(%run_scoped3A_90 : memref<!tpu.dma_semaphore, #tpu.memory_space<semaphore_mem>>) src(%dma_wait3A_114 : memref<96x256xf32, #tpu.memory_space<vmem>>) dst(%dma_wait3A_110 : memref<96x256xf32, #tpu.memory_space<hbm>>)
      tpu.yield
    }) : () -> ()
    return
  }
}

module attributes {stable_mosaic.version = 14 : i64} {
  func.func @_dist_body(%arg0: i32, %arg1: memref<2304x256xf32, #tpu.memory_space<vmem>>, %arg2: memref<8192x256xf32, #tpu.memory_space<vmem>>, %arg3: memref<1x1x2304xi32, #tpu.memory_space<vmem>>, %arg4: memref<1x1x2304xf32, #tpu.memory_space<vmem>>, %arg5: memref<1x1xf32, #tpu.memory_space<smem>>, %arg6: memref<8192x1xf32, #tpu.memory_space<vmem>>, %arg7: memref<8192x256xf32, #tpu.memory_space<vmem>>) attributes {dimension_semantics = [#tpu.dimension_semantics<arbitrary>], iteration_bounds = array<i64: 4>, scalar_prefetch = 0 : i64, scratch_operands = 2 : i64, tpu.core_type = #tpu.core_type<tc>, window_params = [{transform_indices = @transform_0, window_bounds = array<i64: 2304, 256>}, {pipeline_mode = #tpu.pipeline_mode<synchronous>, transform_indices = @transform_1, window_bounds = array<i64: 8192, 256>}, {transform_indices = @transform_2, window_bounds = array<i64: 1, 1, 2304>}, {transform_indices = @transform_3, window_bounds = array<i64: 1, 1, 2304>}, {transform_indices = @transform_4, window_bounds = array<i64: 1, 1>}]} {
    %get3A = arith.constant 0 : index
    %get3A_0 = arith.constant 0 : index
    %get3A_1 = vector.load %arg1[%get3A, %get3A_0] : memref<2304x256xf32, #tpu.memory_space<vmem>>, vector<2304x256xf32>
    %transpose3A = tpu.transpose %get3A_1, [1, 0] : vector<2304x256xf32> -> vector<256x2304xf32>
    %mul3A = arith.mulf %transpose3A, %transpose3A : vector<256x2304xf32>
    %reduce_sum3A = arith.constant dense<0.000000e+00> : vector<2304xf32>
    %reduce_sum3A_2 = vector.multi_reduction <add>, %mul3A, %reduce_sum3A [0] : vector<256x2304xf32> to vector<2304xf32>
    %broadcast_in_dim3A = vector.shape_cast %reduce_sum3A_2 : vector<2304xf32> to vector<1x2304xf32>
    %eq3A = arith.constant 0 : i32
    %eq3A_3 = arith.cmpi eq, %arg0, %eq3A : i32
    %convert_element_type3A = arith.extui %eq3A_3 : i1 to i32
    %cond3A = arith.constant 0 : i32
    %cond3A_4 = arith.cmpi ne, %convert_element_type3A, %cond3A : i32
    scf.if %cond3A_4 {
      %get3A_137 = arith.constant 0 : index
      %get3A_138 = arith.constant 0 : index
      %get3A_139 = vector.load %arg2[%get3A_137, %get3A_138] : memref<8192x256xf32, #tpu.memory_space<vmem>>, vector<2048x256xf32>
      %mul3A_140 = arith.mulf %get3A_139, %get3A_139 : vector<2048x256xf32>
      %reduce_sum3A_141 = arith.constant dense<0.000000e+00> : vector<2048xf32>
      %reduce_sum3A_142 = vector.multi_reduction <add>, %mul3A_140, %reduce_sum3A_141 [1] : vector<2048x256xf32> to vector<2048xf32>
      %broadcast_in_dim3A_143 = vector.shape_cast %reduce_sum3A_142 : vector<2048xf32> to vector<2048x1xf32>
      %swap3A_144 = arith.constant 0 : index
      %swap3A_145 = arith.constant 0 : index
      %swap3A_146 = vector.load %arg6[%swap3A_144, %swap3A_145] : memref<8192x1xf32, #tpu.memory_space<vmem>>, vector<2048x1xf32>
      tpu.vector_store %arg6[%swap3A_144, %swap3A_145], %broadcast_in_dim3A_143 {strides = array<i32>} : memref<8192x1xf32, #tpu.memory_space<vmem>>, vector<2048x1xf32>,
      %mul3A_147 = arith.constant -2.000000e+00 : f32
      %mul3A_148 = vector.broadcast %mul3A_147 : f32 to vector<2048x256xf32>
      %mul3A_149 = arith.mulf %get3A_139, %mul3A_148 : vector<2048x256xf32>
      %swap3A_150 = arith.constant 0 : index
      %swap3A_151 = arith.constant 0 : index
      %swap3A_152 = vector.load %arg7[%swap3A_150, %swap3A_151] : memref<8192x256xf32, #tpu.memory_space<vmem>>, vector<2048x256xf32>
      tpu.vector_store %arg7[%swap3A_150, %swap3A_151], %mul3A_149 {strides = array<i32>} : memref<8192x256xf32, #tpu.memory_space<vmem>>, vector<2048x256xf32>,
      %get3A_153 = arith.constant 2048 : index
      %get3A_154 = arith.constant 0 : index
      %get3A_155 = vector.load %arg2[%get3A_153, %get3A_154] : memref<8192x256xf32, #tpu.memory_space<vmem>>, vector<2048x256xf32>
      %mul3A_156 = arith.mulf %get3A_155, %get3A_155 : vector<2048x256xf32>
      %reduce_sum3A_157 = arith.constant dense<0.000000e+00> : vector<2048xf32>
      %reduce_sum3A_158 = vector.multi_reduction <add>, %mul3A_156, %reduce_sum3A_157 [1] : vector<2048x256xf32> to vector<2048xf32>
      %broadcast_in_dim3A_159 = vector.shape_cast %reduce_sum3A_158 : vector<2048xf32> to vector<2048x1xf32>
      %swap3A_160 = arith.constant 2048 : index
      %swap3A_161 = arith.constant 0 : index
      %swap3A_162 = vector.load %arg6[%swap3A_160, %swap3A_161] : memref<8192x1xf32, #tpu.memory_space<vmem>>, vector<2048x1xf32>
      tpu.vector_store %arg6[%swap3A_160, %swap3A_161], %broadcast_in_dim3A_159 {strides = array<i32>} : memref<8192x1xf32, #tpu.memory_space<vmem>>, vector<2048x1xf32>,
      %mul3A_163 = arith.constant -2.000000e+00 : f32
      %mul3A_164 = vector.broadcast %mul3A_163 : f32 to vector<2048x256xf32>
      %mul3A_165 = arith.mulf %get3A_155, %mul3A_164 : vector<2048x256xf32>
      %swap3A_166 = arith.constant 2048 : index
      %swap3A_167 = arith.constant 0 : index
      %swap3A_168 = vector.load %arg7[%swap3A_166, %swap3A_167] : memref<8192x256xf32, #tpu.memory_space<vmem>>, vector<2048x256xf32>
      tpu.vector_store %arg7[%swap3A_166, %swap3A_167], %mul3A_165 {strides = array<i32>} : memref<8192x256xf32, #tpu.memory_space<vmem>>, vector<2048x256xf32>,
      %get3A_169 = arith.constant 4096 : index
      %get3A_170 = arith.constant 0 : index
      %get3A_171 = vector.load %arg2[%get3A_169, %get3A_170] : memref<8192x256xf32, #tpu.memory_space<vmem>>, vector<2048x256xf32>
      %mul3A_172 = arith.mulf %get3A_171, %get3A_171 : vector<2048x256xf32>
      %reduce_sum3A_173 = arith.constant dense<0.000000e+00> : vector<2048xf32>
      %reduce_sum3A_174 = vector.multi_reduction <add>, %mul3A_172, %reduce_sum3A_173 [1] : vector<2048x256xf32> to vector<2048xf32>
      %broadcast_in_dim3A_175 = vector.shape_cast %reduce_sum3A_174 : vector<2048xf32> to vector<2048x1xf32>
      %swap3A_176 = arith.constant 4096 : index
      %swap3A_177 = arith.constant 0 : index
      %swap3A_178 = vector.load %arg6[%swap3A_176, %swap3A_177] : memref<8192x1xf32, #tpu.memory_space<vmem>>, vector<2048x1xf32>
      tpu.vector_store %arg6[%swap3A_176, %swap3A_177], %broadcast_in_dim3A_175 {strides = array<i32>} : memref<8192x1xf32, #tpu.memory_space<vmem>>, vector<2048x1xf32>,
      %mul3A_179 = arith.constant -2.000000e+00 : f32
      %mul3A_180 = vector.broadcast %mul3A_179 : f32 to vector<2048x256xf32>
      %mul3A_181 = arith.mulf %get3A_171, %mul3A_180 : vector<2048x256xf32>
      %swap3A_182 = arith.constant 4096 : index
      %swap3A_183 = arith.constant 0 : index
      %swap3A_184 = vector.load %arg7[%swap3A_182, %swap3A_183] : memref<8192x256xf32, #tpu.memory_space<vmem>>, vector<2048x256xf32>
      tpu.vector_store %arg7[%swap3A_182, %swap3A_183], %mul3A_181 {strides = array<i32>} : memref<8192x256xf32, #tpu.memory_space<vmem>>, vector<2048x256xf32>,
      %get3A_185 = arith.constant 6144 : index
      %get3A_186 = arith.constant 0 : index
      %get3A_187 = vector.load %arg2[%get3A_185, %get3A_186] : memref<8192x256xf32, #tpu.memory_space<vmem>>, vector<2048x256xf32>
      %mul3A_188 = arith.mulf %get3A_187, %get3A_187 : vector<2048x256xf32>
      %reduce_sum3A_189 = arith.constant dense<0.000000e+00> : vector<2048xf32>
      %reduce_sum3A_190 = vector.multi_reduction <add>, %mul3A_188, %reduce_sum3A_189 [1] : vector<2048x256xf32> to vector<2048xf32>
      %broadcast_in_dim3A_191 = vector.shape_cast %reduce_sum3A_190 : vector<2048xf32> to vector<2048x1xf32>
      %swap3A_192 = arith.constant 6144 : index
      %swap3A_193 = arith.constant 0 : index
      %swap3A_194 = vector.load %arg6[%swap3A_192, %swap3A_193] : memref<8192x1xf32, #tpu.memory_space<vmem>>, vector<2048x1xf32>
      tpu.vector_store %arg6[%swap3A_192, %swap3A_193], %broadcast_in_dim3A_191 {strides = array<i32>} : memref<8192x1xf32, #tpu.memory_space<vmem>>, vector<2048x1xf32>,
      %mul3A_195 = arith.constant -2.000000e+00 : f32
      %mul3A_196 = vector.broadcast %mul3A_195 : f32 to vector<2048x256xf32>
      %mul3A_197 = arith.mulf %get3A_187, %mul3A_196 : vector<2048x256xf32>
      %swap3A_198 = arith.constant 6144 : index
      %swap3A_199 = arith.constant 0 : index
      %swap3A_200 = vector.load %arg7[%swap3A_198, %swap3A_199] : memref<8192x256xf32, #tpu.memory_space<vmem>>, vector<2048x256xf32>
      tpu.vector_store %arg7[%swap3A_198, %swap3A_199], %mul3A_197 {strides = array<i32>} : memref<8192x256xf32, #tpu.memory_space<vmem>>, vector<2048x256xf32>,
      %swap3A_201 = arith.constant 0.000000e+00 : f32
      %swap3A_202 = arith.constant 0 : index
      %swap3A_203 = arith.constant 0 : index
      %swap3A_204 = memref.load %arg5[%swap3A_202, %swap3A_203] : memref<1x1xf32, #tpu.memory_space<smem>>
      memref.store %swap3A_201, %arg5[%swap3A_202, %swap3A_203] : memref<1x1xf32, #tpu.memory_space<smem>>
    } else {
    }
    %iota3A = tpu.iota {dimensions = array<i32: 0>} : vector<2048x2304xi32>
    %convert_element_type3A_5 = arith.sitofp %iota3A : vector<2048x2304xi32> to vector<2048x2304xf32>
    %get3A_6 = arith.constant 0 : index
    %get3A_7 = arith.constant 0 : index
    %get3A_8 = vector.load %arg7[%get3A_6, %get3A_7] : memref<8192x256xf32, #tpu.memory_space<vmem>>, vector<2048x256xf32>
    %dot_general3A = arith.constant dense<0.000000e+00> : vector<2048x2304xf32>
    %dot_general3A_9 = tpu.matmul %get3A_8, %transpose3A, %dot_general3A {dimension_numbers = #tpu.dot_dimension_numbers<[1], [0], [0], [1], [0, 0, 1, 1], [], []>, transpose_lhs_hint = false} : vector<2048x256xf32>, vector<256x2304xf32>, vector<2048x2304xf32> -> vector<2048x2304xf32>
    %get3A_10 = arith.constant 0 : index
    %get3A_11 = arith.constant 0 : index
    %get3A_12 = vector.load %arg6[%get3A_10, %get3A_11] : memref<8192x1xf32, #tpu.memory_space<vmem>>, vector<2048x1xf32>
    %add3A = vector.broadcast %broadcast_in_dim3A : vector<1x2304xf32> to vector<2048x2304xf32>
    %add3A_13 = vector.broadcast %get3A_12 : vector<2048x1xf32> to vector<2048x2304xf32>
    %add3A_14 = arith.addf %add3A, %add3A_13 : vector<2048x2304xf32>
    %add3A_15 = arith.addf %add3A_14, %dot_general3A_9 : vector<2048x2304xf32>
    %reduce_min3A = arith.constant dense<0x7F800000> : vector<2304xf32>
    %reduce_min3A_16 = vector.multi_reduction <minimumf>, %add3A_15, %reduce_min3A [0] : vector<2048x2304xf32> to vector<2304xf32>
    %broadcast_in_dim3A_17 = vector.shape_cast %reduce_min3A_16 : vector<2304xf32> to vector<1x2304xf32>
    %eq3A_18 = vector.broadcast %broadcast_in_dim3A_17 : vector<1x2304xf32> to vector<2048x2304xf32>
    %eq3A_19 = arith.cmpf oeq, %add3A_15, %eq3A_18 : vector<2048x2304xf32>
    %jit3A = arith.constant 8.192000e+03 : f32
    %broadcast_in_dim3A_20 = vector.broadcast %jit3A : f32 to vector<2048x2304xf32>
    %select_n3A = arith.select %eq3A_19, %convert_element_type3A_5, %broadcast_in_dim3A_20 : vector<2048x2304xi1>, vector<2048x2304xf32>
    %reduce_min3A_21 = arith.constant dense<0x7F800000> : vector<2304xf32>
    %reduce_min3A_22 = vector.multi_reduction <minimumf>, %select_n3A, %reduce_min3A_21 [0] : vector<2048x2304xf32> to vector<2304xf32>
    %broadcast_in_dim3A_23 = vector.shape_cast %reduce_min3A_22 : vector<2304xf32> to vector<1x2304xf32>
    %add3A_24 = arith.constant 0.000000e+00 : f32
    %add3A_25 = vector.broadcast %add3A_24 : f32 to vector<1x2304xf32>
    %add3A_26 = arith.addf %broadcast_in_dim3A_23, %add3A_25 : vector<1x2304xf32>
    %get3A_27 = arith.constant 2048 : index
    %get3A_28 = arith.constant 0 : index
    %get3A_29 = vector.load %arg7[%get3A_27, %get3A_28] : memref<8192x256xf32, #tpu.memory_space<vmem>>, vector<2048x256xf32>
    %dot_general3A_30 = arith.constant dense<0.000000e+00> : vector<2048x2304xf32>
    %dot_general3A_31 = tpu.matmul %get3A_29, %transpose3A, %dot_general3A_30 {dimension_numbers = #tpu.dot_dimension_numbers<[1], [0], [0], [1], [0, 0, 1, 1], [], []>, transpose_lhs_hint = false} : vector<2048x256xf32>, vector<256x2304xf32>, vector<2048x2304xf32> -> vector<2048x2304xf32>
    %get3A_32 = arith.constant 2048 : index
    %get3A_33 = arith.constant 0 : index
    %get3A_34 = vector.load %arg6[%get3A_32, %get3A_33] : memref<8192x1xf32, #tpu.memory_space<vmem>>, vector<2048x1xf32>
    %add3A_35 = vector.broadcast %broadcast_in_dim3A : vector<1x2304xf32> to vector<2048x2304xf32>
    %add3A_36 = vector.broadcast %get3A_34 : vector<2048x1xf32> to vector<2048x2304xf32>
    %add3A_37 = arith.addf %add3A_35, %add3A_36 : vector<2048x2304xf32>
    %add3A_38 = arith.addf %add3A_37, %dot_general3A_31 : vector<2048x2304xf32>
    %reduce_min3A_39 = arith.constant dense<0x7F800000> : vector<2304xf32>
    %reduce_min3A_40 = vector.multi_reduction <minimumf>, %add3A_38, %reduce_min3A_39 [0] : vector<2048x2304xf32> to vector<2304xf32>
    %broadcast_in_dim3A_41 = vector.shape_cast %reduce_min3A_40 : vector<2304xf32> to vector<1x2304xf32>
    %eq3A_42 = vector.broadcast %broadcast_in_dim3A_41 : vector<1x2304xf32> to vector<2048x2304xf32>
    %eq3A_43 = arith.cmpf oeq, %add3A_38, %eq3A_42 : vector<2048x2304xf32>
    %jit3A_44 = arith.constant 8.192000e+03 : f32
    %broadcast_in_dim3A_45 = vector.broadcast %jit3A_44 : f32 to vector<2048x2304xf32>
    %select_n3A_46 = arith.select %eq3A_43, %convert_element_type3A_5, %broadcast_in_dim3A_45 : vector<2048x2304xi1>, vector<2048x2304xf32>
    %reduce_min3A_47 = arith.constant dense<0x7F800000> : vector<2304xf32>
    %reduce_min3A_48 = vector.multi_reduction <minimumf>, %select_n3A_46, %reduce_min3A_47 [0] : vector<2048x2304xf32> to vector<2304xf32>
    %broadcast_in_dim3A_49 = vector.shape_cast %reduce_min3A_48 : vector<2304xf32> to vector<1x2304xf32>
    %add3A_50 = arith.constant 2.048000e+03 : f32
    %add3A_51 = vector.broadcast %add3A_50 : f32 to vector<1x2304xf32>
    %add3A_52 = arith.addf %broadcast_in_dim3A_49, %add3A_51 : vector<1x2304xf32>
    %lt3A = arith.cmpf olt, %broadcast_in_dim3A_41, %broadcast_in_dim3A_17 : vector<1x2304xf32>
    %select_n3A_53 = arith.select %lt3A, %broadcast_in_dim3A_41, %broadcast_in_dim3A_17 : vector<1x2304xi1>, vector<1x2304xf32>
    %select_n3A_54 = arith.select %lt3A, %add3A_52, %add3A_26 : vector<1x2304xi1>, vector<1x2304xf32>
    %get3A_55 = arith.constant 4096 : index
    %get3A_56 = arith.constant 0 : index
    %get3A_57 = vector.load %arg7[%get3A_55, %get3A_56] : memref<8192x256xf32, #tpu.memory_space<vmem>>, vector<2048x256xf32>
    %dot_general3A_58 = arith.constant dense<0.000000e+00> : vector<2048x2304xf32>
    %dot_general3A_59 = tpu.matmul %get3A_57, %transpose3A, %dot_general3A_58 {dimension_numbers = #tpu.dot_dimension_numbers<[1], [0], [0], [1], [0, 0, 1, 1], [], []>, transpose_lhs_hint = false} : vector<2048x256xf32>, vector<256x2304xf32>, vector<2048x2304xf32> -> vector<2048x2304xf32>
    %get3A_60 = arith.constant 4096 : index
    %get3A_61 = arith.constant 0 : index
    %get3A_62 = vector.load %arg6[%get3A_60, %get3A_61] : memref<8192x1xf32, #tpu.memory_space<vmem>>, vector<2048x1xf32>
    %add3A_63 = vector.broadcast %broadcast_in_dim3A : vector<1x2304xf32> to vector<2048x2304xf32>
    %add3A_64 = vector.broadcast %get3A_62 : vector<2048x1xf32> to vector<2048x2304xf32>
    %add3A_65 = arith.addf %add3A_63, %add3A_64 : vector<2048x2304xf32>
    %add3A_66 = arith.addf %add3A_65, %dot_general3A_59 : vector<2048x2304xf32>
    %reduce_min3A_67 = arith.constant dense<0x7F800000> : vector<2304xf32>
    %reduce_min3A_68 = vector.multi_reduction <minimumf>, %add3A_66, %reduce_min3A_67 [0] : vector<2048x2304xf32> to vector<2304xf32>
    %broadcast_in_dim3A_69 = vector.shape_cast %reduce_min3A_68 : vector<2304xf32> to vector<1x2304xf32>
    %eq3A_70 = vector.broadcast %broadcast_in_dim3A_69 : vector<1x2304xf32> to vector<2048x2304xf32>
    %eq3A_71 = arith.cmpf oeq, %add3A_66, %eq3A_70 : vector<2048x2304xf32>
    %jit3A_72 = arith.constant 8.192000e+03 : f32
    %broadcast_in_dim3A_73 = vector.broadcast %jit3A_72 : f32 to vector<2048x2304xf32>
    %select_n3A_74 = arith.select %eq3A_71, %convert_element_type3A_5, %broadcast_in_dim3A_73 : vector<2048x2304xi1>, vector<2048x2304xf32>
    %reduce_min3A_75 = arith.constant dense<0x7F800000> : vector<2304xf32>
    %reduce_min3A_76 = vector.multi_reduction <minimumf>, %select_n3A_74, %reduce_min3A_75 [0] : vector<2048x2304xf32> to vector<2304xf32>
    %broadcast_in_dim3A_77 = vector.shape_cast %reduce_min3A_76 : vector<2304xf32> to vector<1x2304xf32>
    %add3A_78 = arith.constant 4.096000e+03 : f32
    %add3A_79 = vector.broadcast %add3A_78 : f32 to vector<1x2304xf32>
    %add3A_80 = arith.addf %broadcast_in_dim3A_77, %add3A_79 : vector<1x2304xf32>
    %lt3A_81 = arith.cmpf olt, %broadcast_in_dim3A_69, %select_n3A_53 : vector<1x2304xf32>
    %select_n3A_82 = arith.select %lt3A_81, %broadcast_in_dim3A_69, %select_n3A_53 : vector<1x2304xi1>, vector<1x2304xf32>
    %select_n3A_83 = arith.select %lt3A_81, %add3A_80, %select_n3A_54 : vector<1x2304xi1>, vector<1x2304xf32>
    %get3A_84 = arith.constant 6144 : index
    %get3A_85 = arith.constant 0 : index
    %get3A_86 = vector.load %arg7[%get3A_84, %get3A_85] : memref<8192x256xf32, #tpu.memory_space<vmem>>, vector<2048x256xf32>
    %dot_general3A_87 = arith.constant dense<0.000000e+00> : vector<2048x2304xf32>
    %dot_general3A_88 = tpu.matmul %get3A_86, %transpose3A, %dot_general3A_87 {dimension_numbers = #tpu.dot_dimension_numbers<[1], [0], [0], [1], [0, 0, 1, 1], [], []>, transpose_lhs_hint = false} : vector<2048x256xf32>, vector<256x2304xf32>, vector<2048x2304xf32> -> vector<2048x2304xf32>
    %get3A_89 = arith.constant 6144 : index
    %get3A_90 = arith.constant 0 : index
    %get3A_91 = vector.load %arg6[%get3A_89, %get3A_90] : memref<8192x1xf32, #tpu.memory_space<vmem>>, vector<2048x1xf32>
    %add3A_92 = vector.broadcast %broadcast_in_dim3A : vector<1x2304xf32> to vector<2048x2304xf32>
    %add3A_93 = vector.broadcast %get3A_91 : vector<2048x1xf32> to vector<2048x2304xf32>
    %add3A_94 = arith.addf %add3A_92, %add3A_93 : vector<2048x2304xf32>
    %add3A_95 = arith.addf %add3A_94, %dot_general3A_88 : vector<2048x2304xf32>
    %reduce_min3A_96 = arith.constant dense<0x7F800000> : vector<2304xf32>
    %reduce_min3A_97 = vector.multi_reduction <minimumf>, %add3A_95, %reduce_min3A_96 [0] : vector<2048x2304xf32> to vector<2304xf32>
    %broadcast_in_dim3A_98 = vector.shape_cast %reduce_min3A_97 : vector<2304xf32> to vector<1x2304xf32>
    %eq3A_99 = vector.broadcast %broadcast_in_dim3A_98 : vector<1x2304xf32> to vector<2048x2304xf32>
    %eq3A_100 = arith.cmpf oeq, %add3A_95, %eq3A_99 : vector<2048x2304xf32>
    %jit3A_101 = arith.constant 8.192000e+03 : f32
    %broadcast_in_dim3A_102 = vector.broadcast %jit3A_101 : f32 to vector<2048x2304xf32>
    %select_n3A_103 = arith.select %eq3A_100, %convert_element_type3A_5, %broadcast_in_dim3A_102 : vector<2048x2304xi1>, vector<2048x2304xf32>
    %reduce_min3A_104 = arith.constant dense<0x7F800000> : vector<2304xf32>
    %reduce_min3A_105 = vector.multi_reduction <minimumf>, %select_n3A_103, %reduce_min3A_104 [0] : vector<2048x2304xf32> to vector<2304xf32>
    %broadcast_in_dim3A_106 = vector.shape_cast %reduce_min3A_105 : vector<2304xf32> to vector<1x2304xf32>
    %add3A_107 = arith.constant 6.144000e+03 : f32
    %add3A_108 = vector.broadcast %add3A_107 : f32 to vector<1x2304xf32>
    %add3A_109 = arith.addf %broadcast_in_dim3A_106, %add3A_108 : vector<1x2304xf32>
    %lt3A_110 = arith.cmpf olt, %broadcast_in_dim3A_98, %select_n3A_82 : vector<1x2304xf32>
    %select_n3A_111 = arith.select %lt3A_110, %broadcast_in_dim3A_98, %select_n3A_82 : vector<1x2304xi1>, vector<1x2304xf32>
    %select_n3A_112 = arith.select %lt3A_110, %add3A_109, %select_n3A_83 : vector<1x2304xi1>, vector<1x2304xf32>
    %convert_element_type3A_113 = arith.fptosi %select_n3A_112 : vector<1x2304xf32> to vector<1x2304xi32>
    %swap3A = arith.constant 0 : index
    %swap3A_114 = arith.constant 0 : index
    %swap3A_115 = arith.constant 0 : index
    %swap3A_116 = vector.load %arg3[%swap3A, %swap3A_114, %swap3A_115] : memref<1x1x2304xi32, #tpu.memory_space<vmem>>, vector<1x1x2304xi32>
    %swap3A_117 = vector.shape_cast %swap3A_116 : vector<1x1x2304xi32> to vector<1x2304xi32>
    %swap3A_118 = vector.shape_cast %convert_element_type3A_113 : vector<1x2304xi32> to vector<1x1x2304xi32>
    tpu.vector_store %arg3[%swap3A, %swap3A_114, %swap3A_115], %swap3A_118 {strides = array<i32>} : memref<1x1x2304xi32, #tpu.memory_space<vmem>>, vector<1x1x2304xi32>,
    %swap3A_119 = arith.constant 0 : index
    %swap3A_120 = arith.constant 0 : index
    %swap3A_121 = arith.constant 0 : index
    %swap3A_122 = vector.load %arg4[%swap3A_119, %swap3A_120, %swap3A_121] : memref<1x1x2304xf32, #tpu.memory_space<vmem>>, vector<1x1x2304xf32>
    %swap3A_123 = vector.shape_cast %swap3A_122 : vector<1x1x2304xf32> to vector<1x2304xf32>
    %swap3A_124 = vector.shape_cast %select_n3A_111 : vector<1x2304xf32> to vector<1x1x2304xf32>
    tpu.vector_store %arg4[%swap3A_119, %swap3A_120, %swap3A_121], %swap3A_124 {strides = array<i32>} : memref<1x1x2304xf32, #tpu.memory_space<vmem>>, vector<1x1x2304xf32>,
    %get3A_125 = arith.constant 0 : index
    %get3A_126 = arith.constant 0 : index
    %get3A_127 = memref.load %arg5[%get3A_125, %get3A_126] : memref<1x1xf32, #tpu.memory_space<smem>>
    %reduce_sum3A_128 = vector.shape_cast %select_n3A_111 : vector<1x2304xf32> to vector<1x1x2304xf32>
    %reduce_sum3A_129 = arith.constant dense<0.000000e+00> : vector<1xf32>
    %reduce_sum3A_130 = vector.multi_reduction <add>, %reduce_sum3A_128, %reduce_sum3A_129 [1, 2] : vector<1x1x2304xf32> to vector<1xf32>
    %reduce_sum3A_131 = vector.shape_cast %reduce_sum3A_130 : vector<1xf32> to vector<1x1x1xf32>
    %reduce_sum3A_132 = vector.extract %reduce_sum3A_131[0, 0, 0] : f32 from vector<1x1x1xf32>
    %add3A_133 = arith.addf %get3A_127, %reduce_sum3A_132 : f32
    %swap3A_134 = arith.constant 0 : index
    %swap3A_135 = arith.constant 0 : index
    %swap3A_136 = memref.load %arg5[%swap3A_134, %swap3A_135] : memref<1x1xf32, #tpu.memory_space<smem>>
    memref.store %add3A_133, %arg5[%swap3A_134, %swap3A_135] : memref<1x1xf32, #tpu.memory_space<smem>>
    return
  }
  func.func @transform_0(%arg0: i32) -> (i32, i32) {
    %c0_i32 = arith.constant 0 : i32
    %c0_i32_0 = arith.constant 0 : i32
    return %arg0, %c0_i32 : i32, i32
  }
  func.func @transform_1(%arg0: i32) -> (i32, i32) {
    %c0_i32 = arith.constant 0 : i32
    %c0_i32_0 = arith.constant 0 : i32
    %c0_i32_1 = arith.constant 0 : i32
    return %c0_i32, %c0_i32_0 : i32, i32
  }
  func.func @transform_2(%arg0: i32) -> (i32, i32, i32) {
    %c0_i32 = arith.constant 0 : i32
    %c0_i32_0 = arith.constant 0 : i32
    %c0_i32_1 = arith.constant 0 : i32
    return %arg0, %c0_i32, %c0_i32_0 : i32, i32, i32
  }
  func.func @transform_3(%arg0: i32) -> (i32, i32, i32) {
    %c0_i32 = arith.constant 0 : i32
    %c0_i32_0 = arith.constant 0 : i32
    %c0_i32_1 = arith.constant 0 : i32
    return %arg0, %c0_i32, %c0_i32_0 : i32, i32, i32
  }
  func.func @transform_4(%arg0: i32) -> (i32, i32) {
    %c0_i32 = arith.constant 0 : i32
    %c0_i32_0 = arith.constant 0 : i32
    %c0_i32_1 = arith.constant 0 : i32
    return %c0_i32, %c0_i32_0 : i32, i32
  }
}

</mosaic_0001>

<sc_bundles>
// kernel: kernel.4.cloned.1.call-start
scs
__scs_entry_jumppad:
0x0: {  	(pc) =	sbr.rel $0x88, $3  }
0x1: {  	(tag) =	ssettag $0x0;
	lr =	simm.s32 $0x1  }
0x2: {  	[smem:$0x3F9D] =	sst lr;
	_ =	strace $0xD0000000  }
0x3: {  	_ = 	snop  }
0x4: {  	_ = 	snop  }
0x5: {  	_ = 	snop  }
0x6: {  	_ = 	snop  }
0x7: {  	_ = 	snop  }
__scs_overlays_trampoline_lowered:
0x8: {  	[smem:$0x3FAC] =	sst s0  }
0x9: {  	[smem:$0x3FAD] =	sst s1  }
0xa: {  	[smem:$0x3FAE] =	sst s2  }
0xb: {  	[smem:$0x3FAF] =	sst s3  }
0xc: {  	[smem:$0x3FB0] =	sst s4  }
0xd: {  	[smem:$0x3FB1] =	sst s5  }
0xe: {  	[smem:$0x3FB2] =	sst s6  }
0xf: {  	[smem:$0x3FB3] =	sst s7  }
0x10: {  	[smem:$0x3FB4] =	sst s8  }
0x11: {  	[smem:$0x3FB5] =	sst s9;
	s0 =	simm.s32 @!p0 $0x0  }
0x12: {  	s1 =	sld [smem:$0x3F9B];
	s0 =	simm.s32 @p0 $0x1  }
0x13: {  	[smem:$0x3FB6] =	sst s0;
	s0 =	simm.s32 @!p1 $0x0  }
0x14: {  	s2 =	sld [smem:$0x3F9A];
	s0 =	simm.s32 @p1 $0x1  }
0x15: {  	[smem:$0x3FB7] =	sst s0;
	s0 =	simm.s32 @!p2 $0x0  }
0x16: {  	s3 =	sld [smem:$0x3FDB];
	s0 =	simm.s32 @p2 $0x1  }
0x17: {  	s4 =	simm.s32 $0x1BF5;
	[smem:$0x3FB9] =	sst s0  }
0x18: {  	s0 =	sld [smem:$0x3F9C];
	_ =	swait.ge [sflag:s4], $0x0  }
0x19: {  	s7 =	sld [smem:$0x3F9D]  }
0x1a: {  	s8 =	sadd.s32 $0xFFFFE003, lr  }
0x1b: {  	s9 =	sadd.s32 $0xFFFFFEF7, lr;
	s5 =	simm.s32 $0xFFFFFFFF;
	p2 =	slt.u32 s8, $0xFFFFF086  }
0x1c: {  	p1 =	slt.u32 s9, $0xF7A;
	s5 =	simm.s32 @!p2 $0x0  }
0x1d: {  	s5 =	simm.s32 @p1 $0x1;
	p0 =	seq.s32 s7, s2  }
0x1e: {  	s7 =	smul.u32 @!p0 $0xF7A, s2;
	p2 =	seq.s32 @!p0 s5, $0x0  }
0x1f: {  	s9 =	smul.u32 $0xF7A, s1;
	s8 =	simm.s32 @!p0 $0x1BF5;
	p2 =	por !p2, p0  }
0x20: {  	[sflag:s8] =	ssyncset.s32 @!p0 $0xFFFFF086;
	s6 =	sadd.s32 @!p0 s3, s7;
	s7 =	simm.s32 @!p0 $0x108  }
0x21: {  	s3 =	sadd.s32 s3, s9;
	s6 =	sadd.s32 @!p0 $0x88, s6;
	s7 =	simm.s32 @p2 $0x1082  }
0x22: {  	[simem:s7], [sflag:s8] =	dma.local @!p0 [hbm:s6], $0xF7A  }
0x23: {  	s9 =	sor.u32 $0xD0000000, s2;
	s6 =	simm.s32 $0x108;
	_ =	swait.ge @!p0 [sflag:s8], $0x0  }
0x24: {  	s3 =	sadd.s32 $0x88, s3;
	s6 =	simm.s32 @!p1 $0x1082;
	[sflag:s4] =	ssyncset.s32 $0xFFFFF086  }
0x25: {  	[simem:s6], [sflag:s4] =	dma.local [hbm:s3], $0xF7A  }
0x26: {  	[smem:$0x3F9D] =	sst s1;
	(tag) =	ssettag s2;
	_ =	strace s9  }
0x27: {  	s1 =	sld [smem:$0x3FAD]  }
0x28: {  	s2 =	sld [smem:$0x3FAE]  }
0x29: {  	s4 =	sld [smem:$0x3FB0]  }
0x2a: {  	p0 =	seq.s32 s5, $0x0;
	s5 =	sld [smem:$0x3FB1]  }
0x2b: {  	s6 =	sld [smem:$0x3FB2]  }
0x2c: {  	s7 =	sld [smem:$0x3FB3]  }
0x2d: {  	s3 =	simm.s32 $0x108;
	s8 =	sld [smem:$0x3FB4]  }
0x2e: {  	s3 =	simm.s32 @!p0 $0x1082;
	s9 =	sld [smem:$0x3FB5]  }
0x2f: {  	lr =	sadd.s32 s0, s3;
	s0 =	sld [smem:$0x3FAC]  }
0x30: {  	s3 =	sld [smem:$0x3FAF]  }
0x31: {  	[smem:$0x3FB8] =	sst s10  }
0x32: {  	s10 =	sld [smem:$0x3FB6];
	_ =	sdelay $0x3  }
0x33: {  	p0 =	seq.s32 s10, $0x1;
	s10 =	sld [smem:$0x3FB8];
	_ =	sdelay $0x3  }
0x34: {  	[smem:$0x3FB8] =	sst s10  }
0x35: {  	s10 =	sld [smem:$0x3FB7];
	_ =	sdelay $0x3  }
0x36: {  	p1 =	seq.s32 s10, $0x1;
	s10 =	sld [smem:$0x3FB8];
	_ =	sdelay $0x3  }
0x37: {  	[smem:$0x3FB8] =	sst s10  }
0x38: {  	s10 =	sld [smem:$0x3FB9]  }
0x39: {  	_ = 	snop;
	(pc) =	sbr.ind lr, $3  }
0x3a: {  	_ = 	snop  }
0x3b: {  	_ = 	snop  }
0x3c: {  	p2 =	seq.s32 s10, $0x1;
	s10 =	sld [smem:$0x3FB8]  }
0x3d: {  	_ =	shalt  }
0x3e: {  	_ =	shalt  }
0x3f: {  	_ =	shalt  }
0x40: {  	_ =	shalt  }
0x41: {  	_ =	shalt  }
0x42: {  	_ =	shalt  }
0x43: {  	_ =	shalt  }
0x44: {  	_ =	shalt  }
0x45: {  	_ =	shalt  }
0x46: {  	_ =	shalt  }
0x47: {  	_ =	shalt  }
0x48: {  	_ =	shalt  }
0x49: {  	_ =	shalt  }
0x4a: {  	_ =	shalt  }
0x4b: {  	_ =	shalt  }
0x4c: {  	_ =	shalt  }
0x4d: {  	_ =	shalt  }
0x4e: {  	_ =	shalt  }
0x4f: {  	_ =	shalt  }
0x50: {  	_ =	shalt  }
0x51: {  	_ =	shalt  }
0x52: {  	_ =	shalt  }
0x53: {  	_ =	shalt  }
0x54: {  	_ =	shalt  }
0x55: {  	_ =	shalt  }
0x56: {  	_ =	shalt  }
0x57: {  	_ =	shalt  }
0x58: {  	_ =	shalt  }
0x59: {  	_ =	shalt  }
0x5a: {  	_ =	shalt  }
0x5b: {  	_ =	shalt  }
0x5c: {  	_ =	shalt  }
0x5d: {  	_ =	shalt  }
0x5e: {  	_ =	shalt  }
0x5f: {  	_ =	shalt  }
0x60: {  	_ =	shalt  }
0x61: {  	_ =	shalt  }
0x62: {  	_ =	shalt  }
0x63: {  	_ =	shalt  }
0x64: {  	_ =	shalt  }
0x65: {  	_ =	shalt  }
0x66: {  	_ =	shalt  }
0x67: {  	_ =	shalt  }
0x68: {  	_ =	shalt  }
0x69: {  	_ =	shalt  }
0x6a: {  	_ =	shalt  }
0x6b: {  	_ =	shalt  }
0x6c: {  	_ =	shalt  }
0x6d: {  	_ =	shalt  }
0x6e: {  	_ =	shalt  }
0x6f: {  	_ =	shalt  }
0x70: {  	_ =	shalt  }
0x71: {  	_ =	shalt  }
0x72: {  	_ =	shalt  }
0x73: {  	_ =	shalt  }
0x74: {  	_ =	shalt  }
0x75: {  	_ =	shalt  }
0x76: {  	_ =	shalt  }
0x77: {  	_ =	shalt  }
0x78: {  	_ =	shalt  }
0x79: {  	_ =	shalt  }
0x7a: {  	_ =	shalt  }
0x7b: {  	_ =	shalt  }
0x7c: {  	_ =	shalt  }
0x7d: {  	_ =	shalt  }
0x7e: {  	_ =	shalt  }
0x7f: {  	_ =	shalt  }
0x80: {  	_ =	shalt  }
0x81: {  	_ =	shalt  }
0x82: {  	_ =	shalt  }
0x83: {  	_ =	shalt  }
0x84: {  	_ =	shalt  }
0x85: {  	_ =	shalt  }
0x86: {  	_ =	shalt  }
0x87: {  	_ =	shalt  }
.Lfunc_end0:
.L_simem_size_0:
called_computation_lowered:
.L_overlay_start_0:
0x88: {  	s2 =	sld [smem:$0x3FD9]  }
0x89: {  	s3 =	sld [smem:$0x3FFE];
	_ =	sdelay $0x1  }
0x8a: {  	s1 =	srdreg.scid  }
0x8b: {  	s0 =	sand.u32 $0x1, s1  }
0x8c: {  	s14 =	sshll.u32 s0, $0xA;
	s2 =	sadd.s32 s3, s2  }
0x8d: {  	s2 =	sadd.s32 s2, s14  }
0x8e: {  	[smem:$0x3FC4] =	sst s2  }
0x8f: {  	_ = 	snop  }
0x90: {  	s2 =	sld [smem:$0x3FD0];
	_ =	sdelay $0x2  }
0x91: {  	s15 =	simm.s32 $0xA;
	s4 =	simm.s32 $0x10  }
0x92: {  	[smem:s4], [sflag:s15] =	dma.local [hbm:s2], $0x1  }
0x93: {  	_ =	swait.eq [sflag:s15], $0x1  }
0x94: {  	[sflag:s15] =	ssyncset.done $0x0  }
0x95: {  	[sflag:s15] =	ssyncadd.s32 $0xFFFFFFFF  }
0x96: {  	s16 =	sld [smem:$0x10];
	(tm) =	ssettm $0x1  }
0x97: {  	s17 =	sld [smem:$0x3FFB];
	_ =	sdelay $0x3  }
0x98: {  	_ =	strace s17  }
0x99: {  	s3 =	sld [smem:$0x3FFC];
	_ =	sdelay $0x3  }
0x9a: {  	_ =	strace s3  }
0x9b: {  	s3 =	sld [smem:$0x3FFD];
	_ =	sdelay $0x3  }
0x9c: {  	_ =	strace s3  }
0x9d: {  	_ =	strace $0x8FFFFFFF  }
0x9e: {  	s18 =	sld [smem:$0x3FDB];
	_ =	sdelay $0x1  }
0x9f: {  	s19 =	simm.s32 $_scs_section_size  }
0xa0: {  	s5 =	simm.s32 $_size__tile_overlayer_lowered;
	s6 =	simm.s32 $_tile_overlayer_lowered  }
0xa1: {  	s22 =	simm.s32 $0x1BFF;
	s21 =	sshll.u32 s6, $0x1;
	s3 =	sadd.s32 s19, s18  }
0xa2: {  	s7 =	simm.s32 $0x0;
	s20 =	sshll.u32 s5, $0x1;
	s5 =	sadd.s32 s21, s3  }
0xa3: {  	[timem:s7], [sflag:s22] =	dma.local [hbm:s5], s20  }
0xa4: {  	_ =	swait.ge [sflag:s22], s20  }
0xa5: {  	s4 =	ssub.s32 $0x0, s20;
	[sflag:s22] =	ssyncset.done $0x0  }
0xa6: {  	[sflag:s22] =	ssyncadd.s32 s4;
	_ =	sdelay $0x1  }
0xa7: {  	s23 =	simm.s32 $0x1B8B  }
0xa8: {  	_ =	swait.ge [sflag:s23], $0x1  }
0xa9: {  	[sflag:s23] =	ssyncset.done $0x0  }
0xaa: {  	s25 =	simm.s32 $0x1B8E;
	s24 =	sld [smem:$0x3FFE];
	[sflag:s23] =	ssyncadd.s32 $0xFFFFFFFF  }
0xab: {  	s26 =	simm.s32 $execute0_lowered;
	[smem:$0x3FD2] =	sst s25  }
0xac: {  	s5 =	sshll.u32 s26, $0x1;
	_ =	strace $0x80000046;
	[dreg:$0x1] =	wrdreg $0xFFFFFFFF  }
0xad: {  	s28 =	simm.s32 $_size_execute0_lowered;
	s3 =	sadd.s32 s3, s5;
	[dreg:$0x0] =	wrdreg $0x0  }
0xae: {  	s5 =	sshll.u32 s28, $0x1;
	[dreg:$0x2] =	wrdreg s3  }
0xaf: {  	[dreg:$0x3] =	wrdreg s5  }
0xb0: {  	[dreg:$0x4] =	wrdreg $0xC0  }
0xb1: {  	_ =	task [dreg:s7], $0x5FFFF  }
0xb2: {  	[dreg:$0x1] =	wrdreg $0xFFFFFFFF  }
0xb3: {  	[dreg:$0x0] =	wrdreg $0x60  }
0xb4: {  	[dreg:$0x2] =	wrdreg s24  }
0xb5: {  	[dreg:$0x3] =	wrdreg s16  }
0xb6: {  	[dreg:$0x4] =	wrdreg $0x9  }
0xb7: {  	_ =	task.clear_ibuf [dreg:s7], $0x5FFFF;
	_ =	strace $0x90000046  }
0xb8: {  	s29 =	simm.s32 $0x9;
	_ =	strace $0x80000048  }
0xb9: {  	_ =	swait.ge [sflag:s29], $0x1  }
0xba: {  	[sflag:s29] =	ssyncadd.s32 $0xFFFFFFFF  }
0xbb: {  	_ =	strace $0x90000048  }
0xbc: {  	_ =	sfence  }
0xbd: {  	s30 =	sld [smem:$0x0];
	_ =	sdelay $0x2  }
0xbe: {  	s31 =	sshll.u32 s1, $0xD;
	s1 =	sshrl.u32 s1, $0x2  }
0xbf: {  	s3 =	sand.u32 $0x4000, s31;
	s1 =	sadd.s32 s1, s30  }
0xc0: {  	s0 =	sor.u32 s3, s0;
	s1 =	sshll.u32 s1, $0x11  }
0xc1: {  	s0 =	sor.u32 s1, s0  }
0xc2: {  	s0 =	sadd.s32 $0x8F2B, s0  }
0xc3: {  	[sflag:s0] =	ssyncadd.remote.s32 $0x1  }
0xc4: {  	_ =	sfence.sel $0xFFFF  }
0xc5: {  	[dreg:$0x0] =	wrdreg $0xFFFFFFFF;
	(pc) =	sbr.abs _section_cstart, $3  }
0xc6: {  	[dreg:$0x1] =	wrdreg $0xFFFFFFFF  }
0xc7: {  	_ =	task.clear_ibuf [dreg:s7], $0x2FFFF;
	_ =	strace $0x9FFFFFFF  }
0xc8: {  	(tm) =	ssettm $0x7FFFFFFF  }
0xc9: {  	_ =	shalt  }
tec
execute0_lowered:
.L_overlay_start_1:
0x0: {  	(tag) =	ssettag $0x1  }
0x1: {  	s1 =	srdreg.scid;
	s0 =	stileid.u32  }
0x2: {  	s3 =	rddreg [dreg:$0x0];
	s1 =	sand.u32 $0x1, s1;
	s2 =	sshll.u32 s0, $0x1  }
0x3: {  	s5 =	rddreg [dreg:$0x1];
	s4 =	sor.u32 s1, s2;
	s2 =	simm.s32 $0x0  }
0x4: {  	s13 =	simm.s32 $0xA00;
	[smem:$0x7FF] =	sst s2  }
0x5: {  	s14 =	simm.s32 $0x1200;
	_ =	strace $0x80000047;
	[dreg:$0x9] =	wrdreg s13  }
0x6: {  	s15 =	simm.s32 $0x1A00;
	s16 =	simm.s32 $0x2200;
	[dreg:$0xa] =	wrdreg s14  }
0x7: {  	s17 =	simm.s32 $0x2A00;
	s18 =	simm.s32 $0x3200;
	[dreg:$0xb] =	wrdreg s15  }
0x8: {  	s19 =	simm.s32 $0x3A00;
	s20 =	simm.s32 $0x4200;
	[dreg:$0xc] =	wrdreg s16  }
0x9: {  	s21 =	simm.s32 $0x4A00;
	s23 =	simm.s32 $0x5200;
	[dreg:$0xd] =	wrdreg s17  }
0xa: {  	s24 =	simm.s32 $0x5A00;
	s25 =	simm.s32 $0x80;
	[dreg:$0xe] =	wrdreg s18  }
0xb: {  	s26 =	simm.s32 $0x6A00;
	s28 =	simm.s32 $0x10200;
	[dreg:$0xf] =	wrdreg s19  }
0xc: {  	s29 =	simm.s32 $0x10A00;
	s30 =	simm.s32 $0x11200;
	[dreg:$0x10] =	wrdreg s20  }
0xd: {  	s31 =	simm.s32 $0x11A00;
	s7 =	sadd.s32 $0x40400, s3;
	[dreg:$0x11] =	wrdreg s21  }
0xe: {  	s3 =	sadd.s32 $0x400, s3;
	s1 =	ssub.s32 $0x2, s1;
	[dreg:$0x12] =	wrdreg s23  }
0xf: {  	s6 =	smul.u32 $0x120, s4;
	s22 =	sshrl.u32 s1, $0x1;
	[dreg:$0x13] =	wrdreg s24  }
0x10: {  	s4 =	smul.u32 $0x2400, s4;
	s1 =	ssub.s32 s1, s22;
	[dreg:$0x14] =	wrdreg s25  }
0x11: {  	[dreg:$0x15] =	wrdreg s26;
	s13 =	simm.s32 $0x9A00;
	s14 =	simm.s32 $0xA200  }
0x12: {  	s15 =	simm.s32 $0xAA00;
	s16 =	simm.s32 $0xB200;
	s17 =	simm.s32 $0xBA00  }
0x13: {  	s18 =	simm.s32 $0x100;
	s19 =	simm.s32 $0xC200;
	s20 =	simm.s32 $0xCA00  }
0x14: {  	s21 =	simm.s32 $0xD200;
	s22 =	simm.s32 $0xDA00;
	s23 =	simm.s32 $0xE200  }
0x15: {  	s24 =	simm.s32 $0xEA00;
	s25 =	simm.s32 $0xF200;
	s26 =	simm.s32 $0xFA00  }
0x16: {  	s8 =	sshrl.u32 s6, $0x3;
	s9 =	sadd.s32 $0x60, s6;
	s6 =	sadd.s32 $0xC0, s6  }
0x17: {  	s4 =	sadd.s32 s5, s4;
	s8 =	sadd.s32 s7, s8;
	s0 =	sshrl.u32 s9, $0x3  }
0x18: {  	s10 =	sshrl.u32 s6, $0x3;
	[dreg:$0x6] =	wrdreg s4;
	s6 =	sshll.u32 s6, $0x5  }
0x19: {  	s4 =	smax.u32 s1, $0x1;
	[dreg:$0x3] =	wrdreg s8;
	s8 =	sadd.s32 s7, s0  }
0x1a: {  	s1 =	simm.s32 $0x1;
	s7 =	sadd.s32 s7, s10;
	[dreg:$0x4] =	wrdreg s8  }
0x1b: {  	s10 =	sshll.u32 s9, $0x5;
	s12 =	sadd.s32 s5, s6;
	[dreg:$0x5] =	wrdreg s7  }
0x1c: {  	v2 =	vlaneseq.u32;
	s6 =	simm.s32 $0x200;
	s11 =	sadd.s32 s5, s10;
	[dreg:$0x8] =	wrdreg s12  }
0x1d: {  	vm0 =	vmmov $0xffff;
	v1 =	vshrl.u32 v2, $0x3;
	s5 =	simm.s32 $0x2;
	s7 =	simm.s32 $0x6200;
	s10 =	simm.s32 $0x8200  }
0x1e: {  	v0 =	vand.u32 $0x7, v2;
	v2 =	vor.u32 $0x8, v2;
	v1 =	vmul.u32 $0x8, v1;
	s12 =	simm.s32 $0x9200;
	[dreg:$0x7] =	wrdreg s11;
	s11 =	simm.s32 $0x8A00  }
.LBB2_1:
0x1f: {  	s0 =	rddreg [dreg:$0x3]  }
0x20: {  	[tilespmem:s2], [sflag:$0x2] =	stream.linear.gather [hbm4b:s0+s2], $0x60, $0x38;
	[tilespmem:$0x12200] =	vst v63  }
0x21: {  	_ =	swait.ge [sflag:s5], $0x60  }
0x22: {  	[sflag:s5] =	ssyncset.done $0x0  }
0x23: {  	[sflag:s5] =	ssyncadd.s32 $0xFFFFFFA0  }
0x24: {  	v3 =	vld [tilespmem:$0x0];
	_ =	sdelay $0x4  }
0x25: {  	v4 =	vshll.u32 v3, $0x1  }
0x26: {  	v3 =	vand.u32 $0x7, v3;
	v4 =	vand.u32 $0xFFFFFFF0, v4  }
0x27: {  	v3 =	vor.u32 v3, v4  }
0x28: {  	v4 =	vperm.xlane v3, v0;
	_ =	sdelay $0x1  }
0x29: {  	v3 =	vperm.xlane v3, v2;
	v4 =	vadd.s32 v1, v4;
	_ =	sdelay $0x1  }
0x2a: {  	v3 =	vadd.s32 v1, v3;
	_ =	sdelay $0x2  }
0x2b: {  	[tilespmem:s6], [sflag:$0x1] =	stream.indirect_vreg.gather [hbm4b:s3+s2], $0x80, v4, vm0, $0xb8;
	[tilespmem:$0x12200] =	vst v63  }
0x2c: {  	s8 =	rddreg [dreg:$0x9]  }
0x2d: {  	[tilespmem:s8], [sflag:$0x1] =	stream.indirect_vreg.gather [hbm4b:s3+s2], $0x80, v3, vm0, $0xb8;
	[tilespmem:$0x12200] =	vst v63  }
0x2e: {  	v3 =	vld [tilespmem:$0x10];
	_ =	sdelay $0x4  }
0x2f: {  	v47 =	vshll.u32 v3, $0x1  }
0x30: {  	v3 =	vand.u32 $0x7, v3;
	v4 =	vand.u32 $0xFFFFFFF0, v47  }
0x31: {  	v3 =	vor.u32 v3, v4  }
0x32: {  	v4 =	vperm.xlane v3, v0;
	_ =	sdelay $0x1  }
0x33: {  	v3 =	vperm.xlane v3, v2;
	v4 =	vadd.s32 v1, v4;
	_ =	sdelay $0x1  }
0x34: {  	v3 =	vadd.s32 v1, v3;
	_ =	sdelay $0x1  }
0x35: {  	s9 =	rddreg [dreg:$0xa]  }
0x36: {  	[tilespmem:s9], [sflag:$0x1] =	stream.indirect_vreg.gather [hbm4b:s3+s2], $0x80, v4, vm0, $0xb8;
	[tilespmem:$0x12200] =	vst v63  }
0x37: {  	s8 =	rddreg [dreg:$0xb]  }
0x38: {  	[tilespmem:s8], [sflag:$0x1] =	stream.indirect_vreg.gather [hbm4b:s3+s2], $0x80, v3, vm0, $0xb8;
	[tilespmem:$0x12200] =	vst v63  }
0x39: {  	v3 =	vld [tilespmem:$0x20];
	_ =	sdelay $0x4  }
0x3a: {  	v48 =	vshll.u32 v3, $0x1  }
0x3b: {  	v3 =	vand.u32 $0x7, v3;
	v4 =	vand.u32 $0xFFFFFFF0, v48  }
0x3c: {  	v3 =	vor.u32 v3, v4  }
0x3d: {  	v4 =	vperm.xlane v3, v0;
	_ =	sdelay $0x1  }
0x3e: {  	v3 =	vperm.xlane v3, v2;
	v4 =	vadd.s32 v1, v4;
	_ =	sdelay $0x1  }
0x3f: {  	v3 =	vadd.s32 v1, v3;
	_ =	sdelay $0x1  }
0x40: {  	s8 =	rddreg [dreg:$0xc]  }
0x41: {  	[tilespmem:s8], [sflag:$0x1] =	stream.indirect_vreg.gather [hbm4b:s3+s2], $0x80, v4, vm0, $0xb8;
	[tilespmem:$0x12200] =	vst v63  }
0x42: {  	s9 =	rddreg [dreg:$0xd]  }
0x43: {  	[tilespmem:s9], [sflag:$0x1] =	stream.indirect_vreg.gather [hbm4b:s3+s2], $0x80, v3, vm0, $0xb8;
	[tilespmem:$0x12200] =	vst v63  }
0x44: {  	v3 =	vld [tilespmem:$0x30];
	_ =	sdelay $0x4  }
0x45: {  	v49 =	vshll.u32 v3, $0x1  }
0x46: {  	v3 =	vand.u32 $0x7, v3;
	v4 =	vand.u32 $0xFFFFFFF0, v49  }
0x47: {  	v3 =	vor.u32 v3, v4  }
0x48: {  	v4 =	vperm.xlane v3, v0;
	_ =	sdelay $0x1  }
0x49: {  	v3 =	vperm.xlane v3, v2;
	v4 =	vadd.s32 v1, v4;
	_ =	sdelay $0x1  }
0x4a: {  	v3 =	vadd.s32 v1, v3;
	_ =	sdelay $0x1  }
0x4b: {  	s8 =	rddreg [dreg:$0xe]  }
0x4c: {  	[tilespmem:s8], [sflag:$0x1] =	stream.indirect_vreg.gather [hbm4b:s3+s2], $0x80, v4, vm0, $0xb8;
	[tilespmem:$0x12200] =	vst v63  }
0x4d: {  	s9 =	rddreg [dreg:$0xf]  }
0x4e: {  	[tilespmem:s9], [sflag:$0x1] =	stream.indirect_vreg.gather [hbm4b:s3+s2], $0x80, v3, vm0, $0xb8;
	[tilespmem:$0x12200] =	vst v63  }
0x4f: {  	v3 =	vld [tilespmem:$0x40];
	_ =	sdelay $0x4  }
0x50: {  	v50 =	vshll.u32 v3, $0x1  }
0x51: {  	v3 =	vand.u32 $0x7, v3;
	v4 =	vand.u32 $0xFFFFFFF0, v50  }
0x52: {  	v3 =	vor.u32 v3, v4  }
0x53: {  	v4 =	vperm.xlane v3, v0;
	_ =	sdelay $0x1  }
0x54: {  	v3 =	vperm.xlane v3, v2;
	v4 =	vadd.s32 v1, v4;
	_ =	sdelay $0x1  }
0x55: {  	v3 =	vadd.s32 v1, v3;
	_ =	sdelay $0x1  }
0x56: {  	s8 =	rddreg [dreg:$0x10]  }
0x57: {  	[tilespmem:s8], [sflag:$0x1] =	stream.indirect_vreg.gather [hbm4b:s3+s2], $0x80, v4, vm0, $0xb8;
	[tilespmem:$0x12200] =	vst v63  }
0x58: {  	s9 =	rddreg [dreg:$0x11]  }
0x59: {  	[tilespmem:s9], [sflag:$0x1] =	stream.indirect_vreg.gather [hbm4b:s3+s2], $0x80, v3, vm0, $0xb8;
	[tilespmem:$0x12200] =	vst v63  }
0x5a: {  	v3 =	vld [tilespmem:$0x50];
	_ =	sdelay $0x4  }
0x5b: {  	v51 =	vshll.u32 v3, $0x1  }
0x5c: {  	v3 =	vand.u32 $0x7, v3;
	v4 =	vand.u32 $0xFFFFFFF0, v51  }
0x5d: {  	v3 =	vor.u32 v3, v4  }
0x5e: {  	v4 =	vperm.xlane v3, v0;
	_ =	sdelay $0x1  }
0x5f: {  	v3 =	vperm.xlane v3, v2;
	v4 =	vadd.s32 v1, v4;
	_ =	sdelay $0x1  }
0x60: {  	v3 =	vadd.s32 v1, v3  }
0x61: {  	s0 =	rddreg [dreg:$0x13]  }
0x62: {  	s8 =	rddreg [dreg:$0x12]  }
0x63: {  	[tilespmem:s8], [sflag:$0x1] =	stream.indirect_vreg.gather [hbm4b:s3+s2], $0x80, v4, vm0, $0xb8;
	[tilespmem:$0x12200] =	vst v63  }
0x64: {  	s9 =	rddreg [dreg:$0x14]  }
0x65: {  	[tilespmem:s0], [sflag:$0x1] =	stream.indirect_vreg.gather [hbm4b:s3+s2], $0x80, v3, vm0, $0xb8;
	[tilespmem:$0x12200] =	vst v63  }
0x66: {  	s8 =	rddreg [dreg:$0x4]  }
0x67: {  	[tilespmem:s9], [sflag:$0x2] =	stream.linear.gather [hbm4b:s8+s2], $0x60, $0x38;
	[tilespmem:$0x12200] =	vst v63  }
0x68: {  	_ =	swait.ge [sflag:s5], $0x60  }
0x69: {  	[sflag:s5] =	ssyncset.done $0x0  }
0x6a: {  	[sflag:s5] =	ssyncadd.s32 $0xFFFFFFA0  }
0x6b: {  	v3 =	vld [tilespmem:$0x80];
	_ =	sdelay $0x4  }
0x6c: {  	v52 =	vshll.u32 v3, $0x1  }
0x6d: {  	v3 =	vand.u32 $0x7, v3;
	v4 =	vand.u32 $0xFFFFFFF0, v52  }
0x6e: {  	v3 =	vor.u32 v3, v4  }
0x6f: {  	v4 =	vperm.xlane v3, v0;
	_ =	sdelay $0x1  }
0x70: {  	v3 =	vperm.xlane v3, v2;
	v4 =	vadd.s32 v1, v4;
	_ =	sdelay $0x1  }
0x71: {  	v3 =	vadd.s32 v1, v3;
	_ =	sdelay $0x2  }
0x72: {  	[tilespmem:s7], [sflag:$0x1] =	stream.indirect_vreg.gather [hbm4b:s3+s2], $0x80, v4, vm0, $0xb8;
	[tilespmem:$0x12200] =	vst v63  }
0x73: {  	s9 =	rddreg [dreg:$0x15]  }
0x74: {  	[tilespmem:s9], [sflag:$0x1] =	stream.indirect_vreg.gather [hbm4b:s3+s2], $0x80, v3, vm0, $0xb8;
	[tilespmem:$0x12200] =	vst v63  }
0x75: {  	v3 =	vld [tilespmem:$0x90];
	_ =	sdelay $0x4  }
0x76: {  	v53 =	vshll.u32 v3, $0x1  }
0x77: {  	v3 =	vand.u32 $0x7, v3;
	v4 =	vand.u32 $0xFFFFFFF0, v53  }
0x78: {  	v3 =	vor.u32 v3, v4  }
0x79: {  	v4 =	vperm.xlane v3, v0;
	_ =	sdelay $0x1  }
0x7a: {  	v3 =	vperm.xlane v3, v2;
	v4 =	vadd.s32 v1, v4;
	_ =	sdelay $0x1  }
0x7b: {  	v3 =	vadd.s32 v1, v3;
	_ =	sdelay $0x1  }
0x7c: {  	s8 =	simm.s32 $0x7200  }
0x7d: {  	[tilespmem:s8], [sflag:$0x1] =	stream.indirect_vreg.gather [hbm4b:s3+s2], $0x80, v4, vm0, $0xb8;
	[tilespmem:$0x12200] =	vst v63  }
0x7e: {  	s9 =	simm.s32 $0x7A00  }
0x7f: {  	[tilespmem:s9], [sflag:$0x1] =	stream.indirect_vreg.gather [hbm4b:s3+s2], $0x80, v3, vm0, $0xb8;
	[tilespmem:$0x12200] =	vst v63  }
0x80: {  	v3 =	vld [tilespmem:$0xA0];
	_ =	sdelay $0x4  }
0x81: {  	v54 =	vshll.u32 v3, $0x1  }
0x82: {  	v3 =	vand.u32 $0x7, v3;
	v4 =	vand.u32 $0xFFFFFFF0, v54  }
0x83: {  	v3 =	vor.u32 v3, v4  }
0x84: {  	v4 =	vperm.xlane v3, v0;
	_ =	sdelay $0x1  }
0x85: {  	v3 =	vperm.xlane v3, v2;
	v4 =	vadd.s32 v1, v4;
	_ =	sdelay $0x1  }
0x86: {  	v3 =	vadd.s32 v1, v3;
	_ =	sdelay $0x2  }
0x87: {  	[tilespmem:s10], [sflag:$0x1] =	stream.indirect_vreg.gather [hbm4b:s3+s2], $0x80, v4, vm0, $0xb8;
	[tilespmem:$0x12200] =	vst v63  }
0x88: {  	_ = 	snop  }
0x89: {  	[tilespmem:s11], [sflag:$0x1] =	stream.indirect_vreg.gather [hbm4b:s3+s2], $0x80, v3, vm0, $0xb8;
	[tilespmem:$0x12200] =	vst v63  }
0x8a: {  	v3 =	vld [tilespmem:$0xB0];
	_ =	sdelay $0x4  }
0x8b: {  	v55 =	vshll.u32 v3, $0x1  }
0x8c: {  	v3 =	vand.u32 $0x7, v3;
	v4 =	vand.u32 $0xFFFFFFF0, v55  }
0x8d: {  	v3 =	vor.u32 v3, v4  }
0x8e: {  	v4 =	vperm.xlane v3, v0;
	_ =	sdelay $0x1  }
0x8f: {  	v3 =	vperm.xlane v3, v2;
	v4 =	vadd.s32 v1, v4;
	_ =	sdelay $0x1  }
0x90: {  	v3 =	vadd.s32 v1, v3;
	_ =	sdelay $0x2  }
0x91: {  	[tilespmem:s12], [sflag:$0x1] =	stream.indirect_vreg.gather [hbm4b:s3+s2], $0x80, v4, vm0, $0xb8;
	[tilespmem:$0x12200] =	vst v63  }
0x92: {  	_ = 	snop  }
0x93: {  	[tilespmem:s13], [sflag:$0x1] =	stream.indirect_vreg.gather [hbm4b:s3+s2], $0x80, v3, vm0, $0xb8;
	[tilespmem:$0x12200] =	vst v63  }
0x94: {  	v3 =	vld [tilespmem:$0xC0];
	_ =	sdelay $0x4  }
0x95: {  	v56 =	vshll.u32 v3, $0x1  }
0x96: {  	v3 =	vand.u32 $0x7, v3;
	v4 =	vand.u32 $0xFFFFFFF0, v56  }
0x97: {  	v3 =	vor.u32 v3, v4  }
0x98: {  	v4 =	vperm.xlane v3, v0;
	_ =	sdelay $0x1  }
0x99: {  	v3 =	vperm.xlane v3, v2;
	v4 =	vadd.s32 v1, v4;
	_ =	sdelay $0x1  }
0x9a: {  	v3 =	vadd.s32 v1, v3;
	_ =	sdelay $0x2  }
0x9b: {  	[tilespmem:s14], [sflag:$0x1] =	stream.indirect_vreg.gather [hbm4b:s3+s2], $0x80, v4, vm0, $0xb8;
	[tilespmem:$0x12200] =	vst v63  }
0x9c: {  	_ = 	snop  }
0x9d: {  	[tilespmem:s15], [sflag:$0x1] =	stream.indirect_vreg.gather [hbm4b:s3+s2], $0x80, v3, vm0, $0xb8;
	[tilespmem:$0x12200] =	vst v63  }
0x9e: {  	v3 =	vld [tilespmem:$0xD0];
	_ =	sdelay $0x4  }
0x9f: {  	v57 =	vshll.u32 v3, $0x1  }
0xa0: {  	v3 =	vand.u32 $0x7, v3;
	v4 =	vand.u32 $0xFFFFFFF0, v57  }
0xa1: {  	v3 =	vor.u32 v3, v4  }
0xa2: {  	v4 =	vperm.xlane v3, v0;
	_ =	sdelay $0x1  }
0xa3: {  	v3 =	vperm.xlane v3, v2;
	v4 =	vadd.s32 v1, v4;
	_ =	sdelay $0x1  }
0xa4: {  	v3 =	vadd.s32 v1, v3;
	_ =	sdelay $0x2  }
0xa5: {  	[tilespmem:s16], [sflag:$0x1] =	stream.indirect_vreg.gather [hbm4b:s3+s2], $0x80, v4, vm0, $0xb8;
	[tilespmem:$0x12200] =	vst v63  }
0xa6: {  	_ = 	snop  }
0xa7: {  	[tilespmem:s17], [sflag:$0x1] =	stream.indirect_vreg.gather [hbm4b:s3+s2], $0x80, v3, vm0, $0xb8;
	[tilespmem:$0x12200] =	vst v63  }
0xa8: {  	s8 =	rddreg [dreg:$0x5]  }
0xa9: {  	[tilespmem:s18], [sflag:$0x2] =	stream.linear.gather [hbm4b:s8+s2], $0x60, $0x38;
	[tilespmem:$0x12200] =	vst v63  }
0xaa: {  	_ =	swait.ge [sflag:s5], $0x60  }
0xab: {  	[sflag:s5] =	ssyncset.done $0x0  }
0xac: {  	[sflag:s5] =	ssyncadd.s32 $0xFFFFFFA0  }
0xad: {  	v3 =	vld [tilespmem:$0x100];
	_ =	sdelay $0x4  }
0xae: {  	v58 =	vshll.u32 v3, $0x1  }
0xaf: {  	v3 =	vand.u32 $0x7, v3;
	v4 =	vand.u32 $0xFFFFFFF0, v58  }
0xb0: {  	v3 =	vor.u32 v3, v4  }
0xb1: {  	v4 =	vperm.xlane v3, v0;
	_ =	sdelay $0x1  }
0xb2: {  	v3 =	vperm.xlane v3, v2;
	v4 =	vadd.s32 v1, v4;
	_ =	sdelay $0x1  }
0xb3: {  	v3 =	vadd.s32 v1, v3;
	_ =	sdelay $0x2  }
0xb4: {  	[tilespmem:s19], [sflag:$0x1] =	stream.indirect_vreg.gather [hbm4b:s3+s2], $0x80, v4, vm0, $0xb8;
	[tilespmem:$0x12200] =	vst v63  }
0xb5: {  	_ = 	snop  }
0xb6: {  	[tilespmem:s20], [sflag:$0x1] =	stream.indirect_vreg.gather [hbm4b:s3+s2], $0x80, v3, vm0, $0xb8;
	[tilespmem:$0x12200] =	vst v63  }
0xb7: {  	v3 =	vld [tilespmem:$0x110];
	_ =	sdelay $0x4  }
0xb8: {  	v59 =	vshll.u32 v3, $0x1  }
0xb9: {  	v3 =	vand.u32 $0x7, v3;
	v4 =	vand.u32 $0xFFFFFFF0, v59  }
0xba: {  	v3 =	vor.u32 v3, v4  }
0xbb: {  	v4 =	vperm.xlane v3, v0;
	_ =	sdelay $0x1  }
0xbc: {  	v3 =	vperm.xlane v3, v2;
	v4 =	vadd.s32 v1, v4;
	_ =	sdelay $0x1  }
0xbd: {  	v3 =	vadd.s32 v1, v3;
	_ =	sdelay $0x2  }
0xbe: {  	[tilespmem:s21], [sflag:$0x1] =	stream.indirect_vreg.gather [hbm4b:s3+s2], $0x80, v4, vm0, $0xb8;
	[tilespmem:$0x12200] =	vst v63  }
0xbf: {  	_ = 	snop  }
0xc0: {  	[tilespmem:s22], [sflag:$0x1] =	stream.indirect_vreg.gather [hbm4b:s3+s2], $0x80, v3, vm0, $0xb8;
	[tilespmem:$0x12200] =	vst v63  }
0xc1: {  	v3 =	vld [tilespmem:$0x120];
	_ =	sdelay $0x4  }
0xc2: {  	v60 =	vshll.u32 v3, $0x1  }
0xc3: {  	v3 =	vand.u32 $0x7, v3;
	v4 =	vand.u32 $0xFFFFFFF0, v60  }
0xc4: {  	v3 =	vor.u32 v3, v4  }
0xc5: {  	v4 =	vperm.xlane v3, v0;
	_ =	sdelay $0x1  }
0xc6: {  	v3 =	vperm.xlane v3, v2;
	v4 =	vadd.s32 v1, v4;
	_ =	sdelay $0x1  }
0xc7: {  	v3 =	vadd.s32 v1, v3;
	_ =	sdelay $0x2  }
0xc8: {  	[tilespmem:s23], [sflag:$0x1] =	stream.indirect_vreg.gather [hbm4b:s3+s2], $0x80, v4, vm0, $0xb8;
	[tilespmem:$0x12200] =	vst v63  }
0xc9: {  	_ = 	snop  }
0xca: {  	[tilespmem:s24], [sflag:$0x1] =	stream.indirect_vreg.gather [hbm4b:s3+s2], $0x80, v3, vm0, $0xb8;
	[tilespmem:$0x12200] =	vst v63  }
0xcb: {  	v3 =	vld [tilespmem:$0x130];
	_ =	sdelay $0x4  }
0xcc: {  	v61 =	vshll.u32 v3, $0x1  }
0xcd: {  	v3 =	vand.u32 $0x7, v3;
	v4 =	vand.u32 $0xFFFFFFF0, v61  }
0xce: {  	v3 =	vor.u32 v3, v4  }
0xcf: {  	v4 =	vperm.xlane v3, v0;
	_ =	sdelay $0x1  }
0xd0: {  	v3 =	vperm.xlane v3, v2;
	v4 =	vadd.s32 v1, v4;
	_ =	sdelay $0x1  }
0xd1: {  	v3 =	vadd.s32 v1, v3;
	_ =	sdelay $0x2  }
0xd2: {  	[tilespmem:s25], [sflag:$0x1] =	stream.indirect_vreg.gather [hbm4b:s3+s2], $0x80, v4, vm0, $0xb8;
	[tilespmem:$0x12200] =	vst v63  }
0xd3: {  	_ = 	snop  }
0xd4: {  	[tilespmem:s26], [sflag:$0x1] =	stream.indirect_vreg.gather [hbm4b:s3+s2], $0x80, v3, vm0, $0xb8;
	[tilespmem:$0x12200] =	vst v63  }
0xd5: {  	v3 =	vld [tilespmem:$0x140];
	_ =	sdelay $0x4  }
0xd6: {  	v62 =	vshll.u32 v3, $0x1  }
0xd7: {  	v3 =	vand.u32 $0x7, v3;
	v4 =	vand.u32 $0xFFFFFFF0, v62  }
0xd8: {  	v3 =	vor.u32 v3, v4  }
0xd9: {  	v4 =	vperm.xlane v3, v0;
	_ =	sdelay $0x1  }
0xda: {  	v3 =	vperm.xlane v3, v2;
	v4 =	vadd.s32 v1, v4;
	_ =	sdelay $0x1  }
0xdb: {  	v3 =	vadd.s32 v1, v3;
	_ =	sdelay $0x2  }
0xdc: {  	[tilespmem:s28], [sflag:$0x1] =	stream.indirect_vreg.gather [hbm4b:s3+s2], $0x80, v4, vm0, $0xb8;
	[tilespmem:$0x12200] =	vst v63  }
0xdd: {  	_ = 	snop  }
0xde: {  	[tilespmem:s29], [sflag:$0x1] =	stream.indirect_vreg.gather [hbm4b:s3+s2], $0x80, v3, vm0, $0xb8;
	[tilespmem:$0x12200] =	vst v63  }
0xdf: {  	v3 =	vld [tilespmem:$0x150];
	_ =	sdelay $0x4  }
0xe0: {  	v63 =	vshll.u32 v3, $0x1  }
0xe1: {  	v3 =	vand.u32 $0x7, v3;
	v4 =	vand.u32 $0xFFFFFFF0, v63  }
0xe2: {  	v3 =	vor.u32 v3, v4  }
0xe3: {  	v4 =	vperm.xlane v3, v0;
	_ =	sdelay $0x1  }
0xe4: {  	v3 =	vperm.xlane v3, v2;
	v4 =	vadd.s32 v1, v4;
	_ =	sdelay $0x1  }
0xe5: {  	v3 =	vadd.s32 v1, v3;
	_ =	sdelay $0x2  }
0xe6: {  	[tilespmem:s30], [sflag:$0x1] =	stream.indirect_vreg.gather [hbm4b:s3+s2], $0x80, v4, vm0, $0xb8;
	[tilespmem:$0x12200] =	vst v63  }
0xe7: {  	_ = 	snop  }
0xe8: {  	[tilespmem:s31], [sflag:$0x1] =	stream.indirect_vreg.gather [hbm4b:s3+s2], $0x80, v3, vm0, $0xb8;
	[tilespmem:$0x12200] =	vst v63  }
0xe9: {  	_ =	swait.ge [sflag:s1], $0x6000  }
0xea: {  	[sflag:s1] =	ssyncset.done $0x0  }
0xeb: {  	s9 =	rddreg [dreg:$0x6];
	[sflag:s1] =	ssyncadd.s32 $0xFFFFA000  }
0xec: {  	[hbm4b:s9+s2] =	stream.linear.scatter [tilespmem:s6], [sflag:$0x2], $0x6000, $0x38;
	[tilespmem:$0x12200] =	vst v63  }
0xed: {  	_ =	swait.ge [sflag:s5], $0x6000  }
0xee: {  	[sflag:s5] =	ssyncset.done $0x0  }
0xef: {  	[sflag:s5] =	ssyncadd.s32 $0xFFFFA000  }
0xf0: {  	_ =	swait.ge [sflag:s1], $0x6000  }
0xf1: {  	[sflag:s1] =	ssyncset.done $0x0  }
0xf2: {  	s8 =	rddreg [dreg:$0x7];
	[sflag:s1] =	ssyncadd.s32 $0xFFFFA000  }
0xf3: {  	[hbm4b:s8+s2] =	stream.linear.scatter [tilespmem:s7], [sflag:$0x2], $0x6000, $0x38;
	[tilespmem:$0x12200] =	vst v63  }
0xf4: {  	_ =	swait.ge [sflag:s5], $0x6000  }
0xf5: {  	[sflag:s5] =	ssyncset.done $0x0  }
0xf6: {  	[sflag:s5] =	ssyncadd.s32 $0xFFFFA000  }
0xf7: {  	_ =	swait.ge [sflag:s1], $0x6000  }
0xf8: {  	p0 =	sne.s32 s4, $0x1;
	[sflag:s1] =	ssyncset.done $0x0  }
.Ltmp0:
0xf9: {  	s9 =	rddreg [dreg:$0x8];
	[sflag:s1] =	ssyncadd.s32 $0xFFFFA000;
	(pc) =	sbr.rel @p0 .LBB2_1-.Ltmp0, $4  }
0xfa: {  	[hbm4b:s9+s2] =	stream.linear.scatter [tilespmem:s19], [sflag:$0x2], $0x6000, $0x38;
	[tilespmem:$0x12200] =	vst v63  }
0xfb: {  	_ =	swait.ge [sflag:s5], $0x6000  }
0xfc: {  	[sflag:s5] =	ssyncset.done $0x0  }
0xfd: {  	s4 =	sadd.s32 $0xFFFFFFFF, s4;
	[sflag:s5] =	ssyncadd.s32 $0xFFFFA000  }
0xfe: {  	_ =	sfence.sel $0x180000  }
0xff: {  	[bflag:$0x0] =	sbarrier.arrive $0xFFFF  }
0x100: {  	_ =	strace $0x90000047  }
0x101: {  	s0 =	stileid.u32;
	[bflag:$0x2] =	sbarrier.arrive $0xFFFF  }
0x102: {  	p0 =	sne.s32 s0, $0x0;
	s0 =	rddreg [dreg:$0x2]  }
0x103: {  	s0 =	sadd.s32 @!p0 $0x100000, s0  }
0x104: {  	[sflag:s0] =	ssyncadd.tile.s32 @!p0 $0x1;
	_ =	shalt  }
.Lfunc_end2:
_tile_overlayer_lowered:
.L_overlay_start_2:
0x105: {  	(tag) =	ssettag $0x2  }
0x106: {  	s0 =	rddreg [dreg:$0x0];
	s2 =	stileid.u32  }
0x107: {  	s1 =	rddreg [dreg:$0x1];
	p0 =	sne.s32 s2, $0x0  }
0x108: {  	s3 =	rddreg [dreg:$0x2];
	[bflag:$0x3] =	sbarrier.arrive $0xFFFF;
	s2 =	simm.s32 @!p0 $0x1C02  }
0x109: {  	[timem:s3], [sflag:s2] =	dma.local @!p0 [hbm:s0], s1  }
0x10a: {  	s0 =	simm.s32 @!p0 $0x2  }
0x10b: {  	_ =	swait.ge @!p0 [sflag:s0], s1  }
0x10c: {  	s1 =	ssub.s32 @!p0 $0x0, s1;
	[sflag:s0] =	ssyncset.done @!p0 $0x0  }
0x10d: {  	[sflag:s0] =	ssyncadd.s32 @!p0 s1  }
0x10e: {  	[bflag:$0x3] =	sbarrier.arrive $0xFFFF  }
0x10f: {  	_ =	shalt  }

</sc_bundles>
